<compile_context>
chip_gen: v7x
topology: tpu7x:2x2x1
jax: 0.10.2.dev20260603
libtpu: 0.0.44.dev20260713+nightly
codegen_flags: <defaults>
</compile_context>

<pallas_src>
import functools

import jax
import jax.numpy as jnp
from jax import lax
from jax.experimental import pallas as pl
from jax.experimental.pallas import tpu as pltpu
from jax.experimental.pallas import tpu_sc as plsc

RATIO = 4
C = 96
H = 224
W = 224
HL = H // RATIO
WL = W // RATIO
NL = HL * WL

NC = 2
NS = 16
NW = NC * NS
CPW = C // NW
NVREG = NL // 16

RB = 392
CB = 24

_PREC = lax.Precision.DEFAULT


def _pool_matrices():
    hh = lax.broadcasted_iota(jnp.int32, (H, HL), 0)
    rr = lax.broadcasted_iota(jnp.int32, (H, HL), 1)
    a = (hh // RATIO == rr).astype(jnp.float32)
    tr = lax.broadcasted_iota(jnp.int32, (HL, H), 0)
    th = lax.broadcasted_iota(jnp.int32, (HL, H), 1)
    at = (th // RATIO == tr).astype(jnp.float32)
    return a, at


def _argmax_body(x_ref, o_ref):
    x = x_ref[...]
    mx = jnp.max(x, axis=1, keepdims=True)
    ii = lax.broadcasted_iota(jnp.int32, x.shape, 1)
    cand = jnp.where(x == mx, ii, NL)
    o_ref[...] = jnp.min(cand, axis=1, keepdims=True)


def _pool_body(x_ref, o_ref):
    a, at = _pool_matrices()
    x = x_ref[...]
    u = lax.dot(x.reshape(CB * H, W), a, precision=_PREC)
    zs = [lax.dot(at, u[c * H:(c + 1) * H], precision=_PREC)
          for c in range(CB)]
    z = jnp.concatenate(zs, axis=0)
    o_ref[...] = z * (1.0 / (RATIO * RATIO))


def _upsample_body(g_ref, o_ref):
    a, at = _pool_matrices()
    g = g_ref[...]
    rs = [lax.dot(a, g[c * HL:(c + 1) * HL], precision=_PREC)
          for c in range(CB)]
    r = jnp.concatenate(rs, axis=0)
    z = lax.dot(r, at, precision=_PREC)
    o_ref[...] = z.reshape(CB, H, W)


def _sc_gather_body(pcm_hbm, idx_hbm, out_hbm, tbl_v, idx_v, out_v):
    wid = lax.axis_index("s") * NC + lax.axis_index("c")
    base_c = wid * CPW
    pltpu.sync_copy(pcm_hbm.at[pl.ds(base_c, CPW)], tbl_v)
    pltpu.sync_copy(idx_hbm, idx_v)

    def body(g, carry):
        idx16 = idx_v[pl.ds(g * 16, 16)]
        for c in range(CPW):
            cvec = jnp.full((16,), c, jnp.int32)
            vals = plsc.load_gather(tbl_v, [cvec, idx16])
            out_v[c, pl.ds(g * 16, 16)] = vals
        return carry

    lax.fori_loop(0, NVREG, body, 0, unroll=4)
    pltpu.sync_copy(out_v, out_hbm.at[pl.ds(base_c, CPW)])


def _sc_gather(pcm, idx):
    mesh = plsc.VectorSubcoreMesh(core_axis_name="c", subcore_axis_name="s")
    return pl.kernel(
        _sc_gather_body,
        out_type=jax.ShapeDtypeStruct((C, NL), jnp.float32),
        mesh=mesh,
        scratch_types=[
            pltpu.VMEM((CPW, NL), jnp.float32),
            pltpu.VMEM((NL,), jnp.int32),
            pltpu.VMEM((CPW, NL), jnp.float32),
        ],
        compiler_params=pltpu.CompilerParams(
            use_tc_tiling_on_sc=False, needs_layout_passes=False),
    )(pcm, idx)


def kernel(v_high_feat, coarse_attn_map):
    attn = coarse_attn_map.reshape(NL, NL)
    x = v_high_feat.reshape(C, H, W)

    idx2 = pl.pallas_call(
        _argmax_body,
        grid=(NL // RB,),
        in_specs=[pl.BlockSpec((RB, NL), lambda i: (i, 0))],
        out_specs=pl.BlockSpec((RB, 1), lambda i: (i, 0)),
        out_shape=jax.ShapeDtypeStruct((NL, 1), jnp.int32),
    )(attn)

    pooled = pl.pallas_call(
        _pool_body,
        grid=(C // CB,),
        in_specs=[pl.BlockSpec((CB, H, W), lambda i: (i, 0, 0))],
        out_specs=pl.BlockSpec((CB * HL, WL), lambda i: (i, 0)),
        out_shape=jax.ShapeDtypeStruct((C * HL, WL), jnp.float32),
    )(x)

    gt = _sc_gather(pooled.reshape(C, NL), idx2.reshape(NL))

    out = pl.pallas_call(
        _upsample_body,
        grid=(C // CB,),
        in_specs=[pl.BlockSpec((CB * HL, WL), lambda i: (i, 0))],
        out_specs=pl.BlockSpec((CB, H, W), lambda i: (i, 0, 0)),
        out_shape=jax.ShapeDtypeStruct((C, H, W), jnp.float32),
    )(gt.reshape(C * HL, WL))

    return out.reshape(1, C, H, W)

# --- scband reference (transcript-rebuilt; emitter-appended) ---
"""Pipeline reference for scband-guided-resampler-455266534007 (READ-ONLY COPY).

The authoritative reference and input builder live on the scoring server;
editing this copy changes nothing except your own understanding.
"""

import jax, jax.numpy as jnp
import numpy as np

DIM = 96
RATIO = 4
K_SAMPLES = 1
B, C, H, W = 1, 96, 224, 224
H_LOW, W_LOW = H // RATIO, W // RATIO
N_LOW = H_LOW * W_LOW


def setup_inputs(seed: int = 0) -> dict:
    key = jax.random.key(seed)
    k1, k2 = jax.random.split(key)
    v_high_feat = jax.random.normal(k1, (B, C, H, W), dtype=jnp.float32)
    coarse_attn_map = jax.random.normal(k2, (B, N_LOW, N_LOW), dtype=jnp.float32)
    return {"v_high_feat": v_high_feat, "coarse_attn_map": coarse_attn_map}


def reference(v_high_feat, coarse_attn_map):
    ratio = RATIO
    k_samples = K_SAMPLES
    Bv, Cv, Hv, Wv = v_high_feat.shape
    H_low, W_low = Hv // ratio, Wv // ratio
    N_high = Hv * Wv
    N_low = H_low * W_low

    v_high_seq = v_high_feat.reshape(Bv, Cv, N_high).transpose(0, 2, 1)  # [B, N_high, C]

    topk_values, topk_indices_low = jax.lax.top_k(coarse_attn_map, k_samples)  # [B, N_low, k]

    topk_row = topk_indices_low // W_low
    topk_col = topk_indices_low % W_low
    tl_row = topk_row * ratio
    tl_col = topk_col * ratio

    dr, dc = jnp.meshgrid(jnp.arange(ratio), jnp.arange(ratio), indexing="ij")
    delta = jnp.stack([dr, dc], axis=-1).reshape(-1, 2)  # [ratio^2, 2]

    topleft = jnp.stack([tl_row, tl_col], axis=-1)  # [B, N_low, k, 2]
    sparse_indices_2d = topleft[..., None, :] + delta.reshape(1, 1, 1, -1, 2)  # [B, N_low, k, r^2, 2]
    sparse_indices_1d = sparse_indices_2d[..., 0] * Wv + sparse_indices_2d[..., 1]
    sparse_indices_1d = sparse_indices_1d.reshape(Bv, N_low, -1)  # [B, N_low, k*r^2]

    hr, hc = jnp.meshgrid(jnp.arange(Hv), jnp.arange(Wv), indexing="ij")
    high_res_q_coords = jnp.stack([hr, hc], axis=-1).reshape(-1, 2)  # [N_high, 2]
    low_res_grid_indices = (high_res_q_coords[:, 0] // ratio) * W_low + (high_res_q_coords[:, 1] // ratio)  # [N_high]

    K_sparse_len = sparse_indices_1d.shape[-1]
    low_idx_exp = jnp.broadcast_to(low_res_grid_indices.reshape(1, N_high, 1), (Bv, N_high, K_sparse_len))
    final_sparse_indices = jnp.take_along_axis(sparse_indices_1d, low_idx_exp, axis=1)  # [B, N_high, K_sparse]

    batch_indices = jnp.arange(Bv).reshape(Bv, 1, 1)
    v_sparse_seq = v_high_seq[batch_indices, final_sparse_indices]  # [B, N_high, K_sparse, C]

    normalized_weights_low = jax.nn.softmax(topk_values, axis=-1)  # [B, N_low, k]
    low_idx_w = jnp.broadcast_to(low_res_grid_indices.reshape(1, N_high, 1), (Bv, N_high, k_samples))
    weights_high = jnp.take_along_axis(normalized_weights_low, low_idx_w, axis=1)  # [B, N_high, k]

    v_reshaped = v_sparse_seq.reshape(Bv, N_high, k_samples, ratio ** 2, Cv)
    weights_for_broadcast = (weights_high / (ratio ** 2)).reshape(Bv, N_high, k_samples, 1, 1)
    warped_seq = (v_reshaped * weights_for_broadcast).sum(axis=(2, 3))  # [B, N_high, C]
    warped_feat = warped_seq.transpose(0, 2, 1).reshape(Bv, Cv, Hv, Wv)
    return warped_feat

if __name__ == "__main__":
    import jax
    _d = setup_inputs()
    print(jax.jit(kernel)(*tuple(_d.values())))

</pallas_src>

<mosaic_0001>
#map = affine_map<(d0, d1) -> (0, 0)>
#map1 = affine_map<(d0, d1) -> (0)>
module attributes {stable_mosaic.version = 14 : i64} {
  func.func @_sc_gather_body(%arg0: i32, %arg1: i32, %arg2: memref<96x3136xf32, #tpu.memory_space<hbm>>, %arg3: memref<3136xi32, #tpu.memory_space<hbm>>, %arg4: memref<96x3136xf32, #tpu.memory_space<hbm>>, %arg5: memref<3x3136xf32, #tpu.memory_space<vmem>>, %arg6: memref<3136xi32, #tpu.memory_space<vmem>>, %arg7: memref<3x3136xf32, #tpu.memory_space<vmem>>) attributes {dimension_semantics = [#tpu.dimension_semantics<core_parallel>, #tpu.dimension_semantics<subcore_parallel>], iteration_bounds = array<i64: 2, 16>, scalar_prefetch = 0 : i64, scratch_operands = 3 : i64, tpu.core_type = #tpu.core_type<sc_vector_subcore>, window_params = [{transform_indices = #map}, {transform_indices = #map1}, {transform_indices = #map}]} {
    %mul3A = arith.constant 2 : i32
    %mul3A_0 = arith.muli %arg1, %mul3A : i32
    %add3A = arith.addi %mul3A_0, %arg0 : i32
    %mul3A_1 = arith.constant 3 : i32
    %mul3A_2 = arith.muli %add3A, %mul3A_1 : i32
    "tpu.region"() ({
      %run_scoped3A = tpu.sem_alloc : memref<!tpu.dma_semaphore, #tpu.memory_space<semaphore_mem>>
      %dma_start3A = arith.constant 0 : i32
      %dma_start3A_8 = tpu.memref_slice %arg2[%mul3A_2, %dma_start3A] : memref<96x3136xf32, #tpu.memory_space<hbm>> -> memref<3x3136xf32, #tpu.memory_space<hbm>>
      %dma_start3A_9 = arith.constant 0 : i32
      %dma_start3A_10 = tpu.memref_slice %arg2[%mul3A_2, %dma_start3A_9] : memref<96x3136xf32, #tpu.memory_space<hbm>> -> memref<3x3136xf32, #tpu.memory_space<hbm>>
      tpu.enqueue_dma source(%dma_start3A_10 : memref<3x3136xf32, #tpu.memory_space<hbm>>) target(%arg5 : memref<3x3136xf32, #tpu.memory_space<vmem>>) target_semaphore(%run_scoped3A : memref<!tpu.dma_semaphore, #tpu.memory_space<semaphore_mem>>)
      %dma_wait3A = arith.constant 0 : i32
      %dma_wait3A_11 = tpu.memref_slice %arg2[%mul3A_2, %dma_wait3A] : memref<96x3136xf32, #tpu.memory_space<hbm>> -> memref<3x3136xf32, #tpu.memory_space<hbm>>
      %dma_wait3A_12 = arith.constant 0 : i32
      %dma_wait3A_13 = tpu.memref_slice %arg2[%mul3A_2, %dma_wait3A_12] : memref<96x3136xf32, #tpu.memory_space<hbm>> -> memref<3x3136xf32, #tpu.memory_space<hbm>>
      tpu.wait_dma2 semaphore(%run_scoped3A : memref<!tpu.dma_semaphore, #tpu.memory_space<semaphore_mem>>) src(%dma_wait3A_13 : memref<3x3136xf32, #tpu.memory_space<hbm>>) dst(%arg5 : memref<3x3136xf32, #tpu.memory_space<vmem>>)
      tpu.yield
    }) : () -> ()
    "tpu.region"() ({
      %run_scoped3A = tpu.sem_alloc : memref<!tpu.dma_semaphore, #tpu.memory_space<semaphore_mem>>
      tpu.enqueue_dma source(%arg3 : memref<3136xi32, #tpu.memory_space<hbm>>) target(%arg6 : memref<3136xi32, #tpu.memory_space<vmem>>) target_semaphore(%run_scoped3A : memref<!tpu.dma_semaphore, #tpu.memory_space<semaphore_mem>>)
      tpu.wait_dma2 semaphore(%run_scoped3A : memref<!tpu.dma_semaphore, #tpu.memory_space<semaphore_mem>>) src(%arg3 : memref<3136xi32, #tpu.memory_space<hbm>>) dst(%arg6 : memref<3136xi32, #tpu.memory_space<vmem>>)
      tpu.yield
    }) : () -> ()
    %scan3A = arith.constant 0 : i32
    %scan3A_3 = arith.constant 0 : i32
    %scan3A_4 = arith.constant 196 : i32
    %scan3A_5 = arith.addi %scan3A_3, %scan3A_4 : i32
    %scan3A_6 = arith.constant 4 : i32
    scf.for %scan3A_8 = %scan3A_3 to %scan3A_5 step %scan3A_6  : i32 {
      %mul3A_9 = arith.constant 16 : i32
      %mul3A_10 = arith.muli %scan3A_8, %mul3A_9 : i32
      %get3A = arith.index_cast %mul3A_10 : i32 to index
      %get3A_11 = tpu.vector_load %arg6[%get3A] {strides = array<i32>} : memref<3136xi32, #tpu.memory_space<vmem>>, vector<16xi32>,
      %broadcast_in_dim3A = arith.constant 0 : i32
      %broadcast_in_dim3A_12 = vector.broadcast %broadcast_in_dim3A : i32 to vector<16xi32>
      %gather3A = tpu.vector_load_idx %arg5[%broadcast_in_dim3A_12, %get3A_11] : memref<3x3136xf32, #tpu.memory_space<vmem>>[vector<16xi32>, vector<16xi32>], vector<16xf32>,
      %mul3A_13 = arith.constant 16 : i32
      %mul3A_14 = arith.muli %scan3A_8, %mul3A_13 : i32
      %swap3A = arith.constant 0 : i32
      %swap3A_15 = arith.index_cast %swap3A : i32 to index
      %swap3A_16 = arith.index_cast %mul3A_14 : i32 to index
      %swap3A_17 = tpu.vector_load %arg7[%swap3A_15, %swap3A_16] {strides = array<i32>} : memref<3x3136xf32, #tpu.memory_space<vmem>>, vector<16xf32>,
      tpu.vector_store %arg7[%swap3A_15, %swap3A_16], %gather3A {strides = array<i32>} : memref<3x3136xf32, #tpu.memory_space<vmem>>, vector<16xf32>,
      %broadcast_in_dim3A_18 = arith.constant 1 : i32
      %broadcast_in_dim3A_19 = vector.broadcast %broadcast_in_dim3A_18 : i32 to vector<16xi32>
      %gather3A_20 = tpu.vector_load_idx %arg5[%broadcast_in_dim3A_19, %get3A_11] : memref<3x3136xf32, #tpu.memory_space<vmem>>[vector<16xi32>, vector<16xi32>], vector<16xf32>,
      %mul3A_21 = arith.constant 16 : i32
      %mul3A_22 = arith.muli %scan3A_8, %mul3A_21 : i32
      %swap3A_23 = arith.constant 1 : i32
      %swap3A_24 = arith.index_cast %swap3A_23 : i32 to index
      %swap3A_25 = arith.index_cast %mul3A_22 : i32 to index
      %swap3A_26 = tpu.vector_load %arg7[%swap3A_24, %swap3A_25] {strides = array<i32>} : memref<3x3136xf32, #tpu.memory_space<vmem>>, vector<16xf32>,
      tpu.vector_store %arg7[%swap3A_24, %swap3A_25], %gather3A_20 {strides = array<i32>} : memref<3x3136xf32, #tpu.memory_space<vmem>>, vector<16xf32>,
      %broadcast_in_dim3A_27 = arith.constant 2 : i32
      %broadcast_in_dim3A_28 = vector.broadcast %broadcast_in_dim3A_27 : i32 to vector<16xi32>
      %gather3A_29 = tpu.vector_load_idx %arg5[%broadcast_in_dim3A_28, %get3A_11] : memref<3x3136xf32, #tpu.memory_space<vmem>>[vector<16xi32>, vector<16xi32>], vector<16xf32>,
      %mul3A_30 = arith.constant 16 : i32
      %mul3A_31 = arith.muli %scan3A_8, %mul3A_30 : i32
      %swap3A_32 = arith.constant 2 : i32
      %swap3A_33 = arith.index_cast %swap3A_32 : i32 to index
      %swap3A_34 = arith.index_cast %mul3A_31 : i32 to index
      %swap3A_35 = tpu.vector_load %arg7[%swap3A_33, %swap3A_34] {strides = array<i32>} : memref<3x3136xf32, #tpu.memory_space<vmem>>, vector<16xf32>,
      tpu.vector_store %arg7[%swap3A_33, %swap3A_34], %gather3A_29 {strides = array<i32>} : memref<3x3136xf32, #tpu.memory_space<vmem>>, vector<16xf32>,
      %scan3A_36 = arith.constant 1 : i32
      %scan3A_37 = arith.addi %scan3A_8, %scan3A_36 : i32
      %mul3A_38 = arith.constant 16 : i32
      %mul3A_39 = arith.muli %scan3A_37, %mul3A_38 : i32
      %get3A_40 = arith.index_cast %mul3A_39 : i32 to index
      %get3A_41 = tpu.vector_load %arg6[%get3A_40] {strides = array<i32>} : memref<3136xi32, #tpu.memory_space<vmem>>, vector<16xi32>,
      %broadcast_in_dim3A_42 = arith.constant 0 : i32
      %broadcast_in_dim3A_43 = vector.broadcast %broadcast_in_dim3A_42 : i32 to vector<16xi32>
      %gather3A_44 = tpu.vector_load_idx %arg5[%broadcast_in_dim3A_43, %get3A_41] : memref<3x3136xf32, #tpu.memory_space<vmem>>[vector<16xi32>, vector<16xi32>], vector<16xf32>,
      %mul3A_45 = arith.constant 16 : i32
      %mul3A_46 = arith.muli %scan3A_37, %mul3A_45 : i32
      %swap3A_47 = arith.constant 0 : i32
      %swap3A_48 = arith.index_cast %swap3A_47 : i32 to index
      %swap3A_49 = arith.index_cast %mul3A_46 : i32 to index
      %swap3A_50 = tpu.vector_load %arg7[%swap3A_48, %swap3A_49] {strides = array<i32>} : memref<3x3136xf32, #tpu.memory_space<vmem>>, vector<16xf32>,
      tpu.vector_store %arg7[%swap3A_48, %swap3A_49], %gather3A_44 {strides = array<i32>} : memref<3x3136xf32, #tpu.memory_space<vmem>>, vector<16xf32>,
      %broadcast_in_dim3A_51 = arith.constant 1 : i32
      %broadcast_in_dim3A_52 = vector.broadcast %broadcast_in_dim3A_51 : i32 to vector<16xi32>
      %gather3A_53 = tpu.vector_load_idx %arg5[%broadcast_in_dim3A_52, %get3A_41] : memref<3x3136xf32, #tpu.memory_space<vmem>>[vector<16xi32>, vector<16xi32>], vector<16xf32>,
      %mul3A_54 = arith.constant 16 : i32
      %mul3A_55 = arith.muli %scan3A_37, %mul3A_54 : i32
      %swap3A_56 = arith.constant 1 : i32
      %swap3A_57 = arith.index_cast %swap3A_56 : i32 to index
      %swap3A_58 = arith.index_cast %mul3A_55 : i32 to index
      %swap3A_59 = tpu.vector_load %arg7[%swap3A_57, %swap3A_58] {strides = array<i32>} : memref<3x3136xf32, #tpu.memory_space<vmem>>, vector<16xf32>,
      tpu.vector_store %arg7[%swap3A_57, %swap3A_58], %gather3A_53 {strides = array<i32>} : memref<3x3136xf32, #tpu.memory_space<vmem>>, vector<16xf32>,
      %broadcast_in_dim3A_60 = arith.constant 2 : i32
      %broadcast_in_dim3A_61 = vector.broadcast %broadcast_in_dim3A_60 : i32 to vector<16xi32>
      %gather3A_62 = tpu.vector_load_idx %arg5[%broadcast_in_dim3A_61, %get3A_41] : memref<3x3136xf32, #tpu.memory_space<vmem>>[vector<16xi32>, vector<16xi32>], vector<16xf32>,
      %mul3A_63 = arith.constant 16 : i32
      %mul3A_64 = arith.muli %scan3A_37, %mul3A_63 : i32
      %swap3A_65 = arith.constant 2 : i32
      %swap3A_66 = arith.index_cast %swap3A_65 : i32 to index
      %swap3A_67 = arith.index_cast %mul3A_64 : i32 to index
      %swap3A_68 = tpu.vector_load %arg7[%swap3A_66, %swap3A_67] {strides = array<i32>} : memref<3x3136xf32, #tpu.memory_space<vmem>>, vector<16xf32>,
      tpu.vector_store %arg7[%swap3A_66, %swap3A_67], %gather3A_62 {strides = array<i32>} : memref<3x3136xf32, #tpu.memory_space<vmem>>, vector<16xf32>,
      %scan3A_69 = arith.constant 2 : i32
      %scan3A_70 = arith.addi %scan3A_8, %scan3A_69 : i32
      %mul3A_71 = arith.constant 16 : i32
      %mul3A_72 = arith.muli %scan3A_70, %mul3A_71 : i32
      %get3A_73 = arith.index_cast %mul3A_72 : i32 to index
      %get3A_74 = tpu.vector_load %arg6[%get3A_73] {strides = array<i32>} : memref<3136xi32, #tpu.memory_space<vmem>>, vector<16xi32>,
      %broadcast_in_dim3A_75 = arith.constant 0 : i32
      %broadcast_in_dim3A_76 = vector.broadcast %broadcast_in_dim3A_75 : i32 to vector<16xi32>
      %gather3A_77 = tpu.vector_load_idx %arg5[%broadcast_in_dim3A_76, %get3A_74] : memref<3x3136xf32, #tpu.memory_space<vmem>>[vector<16xi32>, vector<16xi32>], vector<16xf32>,
      %mul3A_78 = arith.constant 16 : i32
      %mul3A_79 = arith.muli %scan3A_70, %mul3A_78 : i32
      %swap3A_80 = arith.constant 0 : i32
      %swap3A_81 = arith.index_cast %swap3A_80 : i32 to index
      %swap3A_82 = arith.index_cast %mul3A_79 : i32 to index
      %swap3A_83 = tpu.vector_load %arg7[%swap3A_81, %swap3A_82] {strides = array<i32>} : memref<3x3136xf32, #tpu.memory_space<vmem>>, vector<16xf32>,
      tpu.vector_store %arg7[%swap3A_81, %swap3A_82], %gather3A_77 {strides = array<i32>} : memref<3x3136xf32, #tpu.memory_space<vmem>>, vector<16xf32>,
      %broadcast_in_dim3A_84 = arith.constant 1 : i32
      %broadcast_in_dim3A_85 = vector.broadcast %broadcast_in_dim3A_84 : i32 to vector<16xi32>
      %gather3A_86 = tpu.vector_load_idx %arg5[%broadcast_in_dim3A_85, %get3A_74] : memref<3x3136xf32, #tpu.memory_space<vmem>>[vector<16xi32>, vector<16xi32>], vector<16xf32>,
      %mul3A_87 = arith.constant 16 : i32
      %mul3A_88 = arith.muli %scan3A_70, %mul3A_87 : i32
      %swap3A_89 = arith.constant 1 : i32
      %swap3A_90 = arith.index_cast %swap3A_89 : i32 to index
      %swap3A_91 = arith.index_cast %mul3A_88 : i32 to index
      %swap3A_92 = tpu.vector_load %arg7[%swap3A_90, %swap3A_91] {strides = array<i32>} : memref<3x3136xf32, #tpu.memory_space<vmem>>, vector<16xf32>,
      tpu.vector_store %arg7[%swap3A_90, %swap3A_91], %gather3A_86 {strides = array<i32>} : memref<3x3136xf32, #tpu.memory_space<vmem>>, vector<16xf32>,
      %broadcast_in_dim3A_93 = arith.constant 2 : i32
      %broadcast_in_dim3A_94 = vector.broadcast %broadcast_in_dim3A_93 : i32 to vector<16xi32>
      %gather3A_95 = tpu.vector_load_idx %arg5[%broadcast_in_dim3A_94, %get3A_74] : memref<3x3136xf32, #tpu.memory_space<vmem>>[vector<16xi32>, vector<16xi32>], vector<16xf32>,
      %mul3A_96 = arith.constant 16 : i32
      %mul3A_97 = arith.muli %scan3A_70, %mul3A_96 : i32
      %swap3A_98 = arith.constant 2 : i32
      %swap3A_99 = arith.index_cast %swap3A_98 : i32 to index
      %swap3A_100 = arith.index_cast %mul3A_97 : i32 to index
      %swap3A_101 = tpu.vector_load %arg7[%swap3A_99, %swap3A_100] {strides = array<i32>} : memref<3x3136xf32, #tpu.memory_space<vmem>>, vector<16xf32>,
      tpu.vector_store %arg7[%swap3A_99, %swap3A_100], %gather3A_95 {strides = array<i32>} : memref<3x3136xf32, #tpu.memory_space<vmem>>, vector<16xf32>,
      %scan3A_102 = arith.constant 3 : i32
      %scan3A_103 = arith.addi %scan3A_8, %scan3A_102 : i32
      %mul3A_104 = arith.constant 16 : i32
      %mul3A_105 = arith.muli %scan3A_103, %mul3A_104 : i32
      %get3A_106 = arith.index_cast %mul3A_105 : i32 to index
      %get3A_107 = tpu.vector_load %arg6[%get3A_106] {strides = array<i32>} : memref<3136xi32, #tpu.memory_space<vmem>>, vector<16xi32>,
      %broadcast_in_dim3A_108 = arith.constant 0 : i32
      %broadcast_in_dim3A_109 = vector.broadcast %broadcast_in_dim3A_108 : i32 to vector<16xi32>
      %gather3A_110 = tpu.vector_load_idx %arg5[%broadcast_in_dim3A_109, %get3A_107] : memref<3x3136xf32, #tpu.memory_space<vmem>>[vector<16xi32>, vector<16xi32>], vector<16xf32>,
      %mul3A_111 = arith.constant 16 : i32
      %mul3A_112 = arith.muli %scan3A_103, %mul3A_111 : i32
      %swap3A_113 = arith.constant 0 : i32
      %swap3A_114 = arith.index_cast %swap3A_113 : i32 to index
      %swap3A_115 = arith.index_cast %mul3A_112 : i32 to index
      %swap3A_116 = tpu.vector_load %arg7[%swap3A_114, %swap3A_115] {strides = array<i32>} : memref<3x3136xf32, #tpu.memory_space<vmem>>, vector<16xf32>,
      tpu.vector_store %arg7[%swap3A_114, %swap3A_115], %gather3A_110 {strides = array<i32>} : memref<3x3136xf32, #tpu.memory_space<vmem>>, vector<16xf32>,
      %broadcast_in_dim3A_117 = arith.constant 1 : i32
      %broadcast_in_dim3A_118 = vector.broadcast %broadcast_in_dim3A_117 : i32 to vector<16xi32>
      %gather3A_119 = tpu.vector_load_idx %arg5[%broadcast_in_dim3A_118, %get3A_107] : memref<3x3136xf32, #tpu.memory_space<vmem>>[vector<16xi32>, vector<16xi32>], vector<16xf32>,
      %mul3A_120 = arith.constant 16 : i32
      %mul3A_121 = arith.muli %scan3A_103, %mul3A_120 : i32
      %swap3A_122 = arith.constant 1 : i32
      %swap3A_123 = arith.index_cast %swap3A_122 : i32 to index
      %swap3A_124 = arith.index_cast %mul3A_121 : i32 to index
      %swap3A_125 = tpu.vector_load %arg7[%swap3A_123, %swap3A_124] {strides = array<i32>} : memref<3x3136xf32, #tpu.memory_space<vmem>>, vector<16xf32>,
      tpu.vector_store %arg7[%swap3A_123, %swap3A_124], %gather3A_119 {strides = array<i32>} : memref<3x3136xf32, #tpu.memory_space<vmem>>, vector<16xf32>,
      %broadcast_in_dim3A_126 = arith.constant 2 : i32
      %broadcast_in_dim3A_127 = vector.broadcast %broadcast_in_dim3A_126 : i32 to vector<16xi32>
      %gather3A_128 = tpu.vector_load_idx %arg5[%broadcast_in_dim3A_127, %get3A_107] : memref<3x3136xf32, #tpu.memory_space<vmem>>[vector<16xi32>, vector<16xi32>], vector<16xf32>,
      %mul3A_129 = arith.constant 16 : i32
      %mul3A_130 = arith.muli %scan3A_103, %mul3A_129 : i32
      %swap3A_131 = arith.constant 2 : i32
      %swap3A_132 = arith.index_cast %swap3A_131 : i32 to index
      %swap3A_133 = arith.index_cast %mul3A_130 : i32 to index
      %swap3A_134 = tpu.vector_load %arg7[%swap3A_132, %swap3A_133] {strides = array<i32>} : memref<3x3136xf32, #tpu.memory_space<vmem>>, vector<16xf32>,
      tpu.vector_store %arg7[%swap3A_132, %swap3A_133], %gather3A_128 {strides = array<i32>} : memref<3x3136xf32, #tpu.memory_space<vmem>>, vector<16xf32>,
    }
    %scan3A_7 = arith.constant 196 : i32
    "tpu.region"() ({
      %run_scoped3A = tpu.sem_alloc : memref<!tpu.dma_semaphore, #tpu.memory_space<semaphore_mem>>
      %dma_start3A = arith.constant 0 : i32
      %dma_start3A_8 = tpu.memref_slice %arg4[%mul3A_2, %dma_start3A] : memref<96x3136xf32, #tpu.memory_space<hbm>> -> memref<3x3136xf32, #tpu.memory_space<hbm>>
      %dma_start3A_9 = arith.constant 0 : i32
      %dma_start3A_10 = tpu.memref_slice %arg4[%mul3A_2, %dma_start3A_9] : memref<96x3136xf32, #tpu.memory_space<hbm>> -> memref<3x3136xf32, #tpu.memory_space<hbm>>
      tpu.enqueue_dma source(%arg7 : memref<3x3136xf32, #tpu.memory_space<vmem>>) target(%dma_start3A_10 : memref<3x3136xf32, #tpu.memory_space<hbm>>) target_semaphore(%run_scoped3A : memref<!tpu.dma_semaphore, #tpu.memory_space<semaphore_mem>>)
      %dma_wait3A = arith.constant 0 : i32
      %dma_wait3A_11 = tpu.memref_slice %arg4[%mul3A_2, %dma_wait3A] : memref<96x3136xf32, #tpu.memory_space<hbm>> -> memref<3x3136xf32, #tpu.memory_space<hbm>>
      %dma_wait3A_12 = arith.constant 0 : i32
      %dma_wait3A_13 = tpu.memref_slice %arg4[%mul3A_2, %dma_wait3A_12] : memref<96x3136xf32, #tpu.memory_space<hbm>> -> memref<3x3136xf32, #tpu.memory_space<hbm>>
      tpu.wait_dma2 semaphore(%run_scoped3A : memref<!tpu.dma_semaphore, #tpu.memory_space<semaphore_mem>>) src(%arg7 : memref<3x3136xf32, #tpu.memory_space<vmem>>) dst(%dma_wait3A_13 : memref<3x3136xf32, #tpu.memory_space<hbm>>)
      tpu.yield
    }) : () -> ()
    return
  }
}

module attributes {stable_mosaic.version = 14 : i64} {
  func.func @_argmax_body(%arg0: i32, %arg1: memref<392x3136xf32, #tpu.memory_space<vmem>>, %arg2: memref<392x1xi32, #tpu.memory_space<vmem>>) attributes {dimension_semantics = [#tpu.dimension_semantics<arbitrary>], iteration_bounds = array<i64: 8>, scalar_prefetch = 0 : i64, scratch_operands = 0 : i64, tpu.core_type = #tpu.core_type<tc>, window_params = [{transform_indices = @transform_0, window_bounds = array<i64: 392, 3136>}, {transform_indices = @transform_1, window_bounds = array<i64: 392, 1>}]} {
    %get3A = arith.constant 0 : index
    %get3A_0 = arith.constant 0 : index
    %get3A_1 = vector.load %arg1[%get3A, %get3A_0] : memref<392x3136xf32, #tpu.memory_space<vmem>>, vector<392x3136xf32>
    %reduce_max3A = arith.constant dense<0xFF800000> : vector<392xf32>
    %reduce_max3A_2 = vector.multi_reduction <maximumf>, %get3A_1, %reduce_max3A [1] : vector<392x3136xf32> to vector<392xf32>
    %broadcast_in_dim3A = vector.shape_cast %reduce_max3A_2 : vector<392xf32> to vector<392x1xf32>
    %iota3A = tpu.iota {dimensions = array<i32: 1>} : vector<392x3136xi32>
    %eq3A = vector.broadcast %broadcast_in_dim3A : vector<392x1xf32> to vector<392x3136xf32>
    %eq3A_3 = arith.cmpf oeq, %get3A_1, %eq3A : vector<392x3136xf32>
    %jit3A = arith.constant 3136 : i32
    %broadcast_in_dim3A_4 = vector.broadcast %jit3A : i32 to vector<392x3136xi32>
    %select_n3A = arith.select %eq3A_3, %iota3A, %broadcast_in_dim3A_4 : vector<392x3136xi1>, vector<392x3136xi32>
    %reduce_min3A = arith.constant dense<2147483647> : vector<392xi32>
    %reduce_min3A_5 = vector.multi_reduction <minsi>, %select_n3A, %reduce_min3A [1] : vector<392x3136xi32> to vector<392xi32>
    %broadcast_in_dim3A_6 = vector.shape_cast %reduce_min3A_5 : vector<392xi32> to vector<392x1xi32>
    %swap3A = arith.constant 0 : index
    %swap3A_7 = arith.constant 0 : index
    %swap3A_8 = vector.load %arg2[%swap3A, %swap3A_7] : memref<392x1xi32, #tpu.memory_space<vmem>>, vector<392x1xi32>
    tpu.vector_store %arg2[%swap3A, %swap3A_7], %broadcast_in_dim3A_6 {strides = array<i32>} : memref<392x1xi32, #tpu.memory_space<vmem>>, vector<392x1xi32>,
    return
  }
  func.func @transform_0(%arg0: i32) -> (i32, i32) {
    %c0_i32 = arith.constant 0 : i32
    %c0_i32_0 = arith.constant 0 : i32
    return %arg0, %c0_i32 : i32, i32
  }
  func.func @transform_1(%arg0: i32) -> (i32, i32) {
    %c0_i32 = arith.constant 0 : i32
    %c0_i32_0 = arith.constant 0 : i32
    return %arg0, %c0_i32 : i32, i32
  }
}

module attributes {stable_mosaic.version = 14 : i64} {
  func.func @_pool_body(%arg0: i32, %arg1: memref<24x224x224xf32, #tpu.memory_space<vmem>>, %arg2: memref<1344x56xf32, #tpu.memory_space<vmem>>) attributes {dimension_semantics = [#tpu.dimension_semantics<arbitrary>], iteration_bounds = array<i64: 4>, scalar_prefetch = 0 : i64, scratch_operands = 0 : i64, tpu.core_type = #tpu.core_type<tc>, window_params = [{transform_indices = @transform_0, window_bounds = array<i64: 24, 224, 224>}, {transform_indices = @transform_1, window_bounds = array<i64: 1344, 56>}]} {
    %iota3A = tpu.iota {dimensions = array<i32: 0>} : vector<224x56xi32>
    %iota3A_0 = tpu.iota {dimensions = array<i32: 1>} : vector<224x56xi32>
    %jit3A = arith.constant 4 : i32
    %div3A = vector.broadcast %jit3A : i32 to vector<224x56xi32>
    %div3A_1 = arith.divsi %iota3A, %div3A : vector<224x56xi32>
    %sign3A = arith.constant 0 : i32
    %sign3A_2 = vector.broadcast %sign3A : i32 to vector<224x56xi32>
    %sign3A_3 = arith.cmpi sgt, %iota3A, %sign3A_2 : vector<224x56xi32>
    %sign3A_4 = arith.extui %sign3A_3 : vector<224x56xi1> to vector<224x56xi32>
    %sign3A_5 = arith.constant 0 : i32
    %sign3A_6 = vector.broadcast %sign3A_5 : i32 to vector<224x56xi32>
    %sign3A_7 = arith.cmpi slt, %iota3A, %sign3A_6 : vector<224x56xi32>
    %sign3A_8 = arith.extui %sign3A_7 : vector<224x56xi1> to vector<224x56xi32>
    %sign3A_9 = arith.subi %sign3A_4, %sign3A_8 : vector<224x56xi32>
    %sign3A_10 = arith.constant 0 : i32
    %sign3A_11 = arith.cmpi sgt, %jit3A, %sign3A_10 : i32
    %sign3A_12 = arith.extui %sign3A_11 : i1 to i32
    %sign3A_13 = arith.constant 0 : i32
    %sign3A_14 = arith.cmpi slt, %jit3A, %sign3A_13 : i32
    %sign3A_15 = arith.extui %sign3A_14 : i1 to i32
    %sign3A_16 = arith.subi %sign3A_12, %sign3A_15 : i32
    %ne3A = vector.broadcast %sign3A_16 : i32 to vector<224x56xi32>
    %ne3A_17 = arith.cmpi ne, %sign3A_9, %ne3A : vector<224x56xi32>
    %rem3A = vector.broadcast %jit3A : i32 to vector<224x56xi32>
    %rem3A_18 = arith.remsi %iota3A, %rem3A : vector<224x56xi32>
    %ne3A_19 = arith.constant 0 : i32
    %ne3A_20 = vector.broadcast %ne3A_19 : i32 to vector<224x56xi32>
    %ne3A_21 = arith.cmpi ne, %rem3A_18, %ne3A_20 : vector<224x56xi32>
    %and3A = arith.andi %ne3A_17, %ne3A_21 : vector<224x56xi1>
    %sub3A = arith.constant 1 : i32
    %sub3A_22 = vector.broadcast %sub3A : i32 to vector<224x56xi32>
    %sub3A_23 = arith.subi %div3A_1, %sub3A_22 : vector<224x56xi32>
    %select_n3A = arith.select %and3A, %sub3A_23, %div3A_1 : vector<224x56xi1>, vector<224x56xi32>
    %eq3A = arith.cmpi eq, %select_n3A, %iota3A_0 : vector<224x56xi32>
    %convert_element_type3A = arith.extui %eq3A : vector<224x56xi1> to vector<224x56xi32>
    %convert_element_type3A_24 = arith.sitofp %convert_element_type3A : vector<224x56xi32> to vector<224x56xf32>
    %iota3A_25 = tpu.iota {dimensions = array<i32: 0>} : vector<56x224xi32>
    %iota3A_26 = tpu.iota {dimensions = array<i32: 1>} : vector<56x224xi32>
    %jit3A_27 = arith.constant 4 : i32
    %div3A_28 = vector.broadcast %jit3A_27 : i32 to vector<56x224xi32>
    %div3A_29 = arith.divsi %iota3A_26, %div3A_28 : vector<56x224xi32>
    %sign3A_30 = arith.constant 0 : i32
    %sign3A_31 = vector.broadcast %sign3A_30 : i32 to vector<56x224xi32>
    %sign3A_32 = arith.cmpi sgt, %iota3A_26, %sign3A_31 : vector<56x224xi32>
    %sign3A_33 = arith.extui %sign3A_32 : vector<56x224xi1> to vector<56x224xi32>
    %sign3A_34 = arith.constant 0 : i32
    %sign3A_35 = vector.broadcast %sign3A_34 : i32 to vector<56x224xi32>
    %sign3A_36 = arith.cmpi slt, %iota3A_26, %sign3A_35 : vector<56x224xi32>
    %sign3A_37 = arith.extui %sign3A_36 : vector<56x224xi1> to vector<56x224xi32>
    %sign3A_38 = arith.subi %sign3A_33, %sign3A_37 : vector<56x224xi32>
    %sign3A_39 = arith.constant 0 : i32
    %sign3A_40 = arith.cmpi sgt, %jit3A_27, %sign3A_39 : i32
    %sign3A_41 = arith.extui %sign3A_40 : i1 to i32
    %sign3A_42 = arith.constant 0 : i32
    %sign3A_43 = arith.cmpi slt, %jit3A_27, %sign3A_42 : i32
    %sign3A_44 = arith.extui %sign3A_43 : i1 to i32
    %sign3A_45 = arith.subi %sign3A_41, %sign3A_44 : i32
    %ne3A_46 = vector.broadcast %sign3A_45 : i32 to vector<56x224xi32>
    %ne3A_47 = arith.cmpi ne, %sign3A_38, %ne3A_46 : vector<56x224xi32>
    %rem3A_48 = vector.broadcast %jit3A_27 : i32 to vector<56x224xi32>
    %rem3A_49 = arith.remsi %iota3A_26, %rem3A_48 : vector<56x224xi32>
    %ne3A_50 = arith.constant 0 : i32
    %ne3A_51 = vector.broadcast %ne3A_50 : i32 to vector<56x224xi32>
    %ne3A_52 = arith.cmpi ne, %rem3A_49, %ne3A_51 : vector<56x224xi32>
    %and3A_53 = arith.andi %ne3A_47, %ne3A_52 : vector<56x224xi1>
    %sub3A_54 = arith.constant 1 : i32
    %sub3A_55 = vector.broadcast %sub3A_54 : i32 to vector<56x224xi32>
    %sub3A_56 = arith.subi %div3A_29, %sub3A_55 : vector<56x224xi32>
    %select_n3A_57 = arith.select %and3A_53, %sub3A_56, %div3A_29 : vector<56x224xi1>, vector<56x224xi32>
    %eq3A_58 = arith.cmpi eq, %select_n3A_57, %iota3A_25 : vector<56x224xi32>
    %convert_element_type3A_59 = arith.extui %eq3A_58 : vector<56x224xi1> to vector<56x224xi32>
    %convert_element_type3A_60 = arith.sitofp %convert_element_type3A_59 : vector<56x224xi32> to vector<56x224xf32>
    %get3A = arith.constant 0 : index
    %get3A_61 = arith.constant 0 : index
    %get3A_62 = arith.constant 0 : index
    %get3A_63 = vector.load %arg1[%get3A, %get3A_61, %get3A_62] : memref<24x224x224xf32, #tpu.memory_space<vmem>>, vector<24x224x224xf32>
    %reshape3A = vector.shape_cast %get3A_63 : vector<24x224x224xf32> to vector<5376x224xf32>
    %dot_general3A = arith.constant dense<0.000000e+00> : vector<5376x56xf32>
    %dot_general3A_64 = tpu.matmul %reshape3A, %convert_element_type3A_24, %dot_general3A {dimension_numbers = #tpu.dot_dimension_numbers<[1], [0], [0], [1], [0, 0, 1, 1], [], []>, transpose_lhs_hint = false} : vector<5376x224xf32>, vector<224x56xf32>, vector<5376x56xf32> -> vector<5376x56xf32>
    %slice3A = vector.extract_strided_slice %dot_general3A_64 {offsets = [0, 0], sizes = [224, 56], strides = [1, 1]} : vector<5376x56xf32> to vector<224x56xf32>
    %dot_general3A_65 = arith.constant dense<0.000000e+00> : vector<56x56xf32>
    %dot_general3A_66 = tpu.matmul %convert_element_type3A_60, %slice3A, %dot_general3A_65 {dimension_numbers = #tpu.dot_dimension_numbers<[1], [0], [0], [1], [0, 0, 1, 1], [], []>, transpose_lhs_hint = false} : vector<56x224xf32>, vector<224x56xf32>, vector<56x56xf32> -> vector<56x56xf32>
    %slice3A_67 = vector.extract_strided_slice %dot_general3A_64 {offsets = [224, 0], sizes = [224, 56], strides = [1, 1]} : vector<5376x56xf32> to vector<224x56xf32>
    %dot_general3A_68 = arith.constant dense<0.000000e+00> : vector<56x56xf32>
    %dot_general3A_69 = tpu.matmul %convert_element_type3A_60, %slice3A_67, %dot_general3A_68 {dimension_numbers = #tpu.dot_dimension_numbers<[1], [0], [0], [1], [0, 0, 1, 1], [], []>, transpose_lhs_hint = false} : vector<56x224xf32>, vector<224x56xf32>, vector<56x56xf32> -> vector<56x56xf32>
    %slice3A_70 = vector.extract_strided_slice %dot_general3A_64 {offsets = [448, 0], sizes = [224, 56], strides = [1, 1]} : vector<5376x56xf32> to vector<224x56xf32>
    %dot_general3A_71 = arith.constant dense<0.000000e+00> : vector<56x56xf32>
    %dot_general3A_72 = tpu.matmul %convert_element_type3A_60, %slice3A_70, %dot_general3A_71 {dimension_numbers = #tpu.dot_dimension_numbers<[1], [0], [0], [1], [0, 0, 1, 1], [], []>, transpose_lhs_hint = false} : vector<56x224xf32>, vector<224x56xf32>, vector<56x56xf32> -> vector<56x56xf32>
    %slice3A_73 = vector.extract_strided_slice %dot_general3A_64 {offsets = [672, 0], sizes = [224, 56], strides = [1, 1]} : vector<5376x56xf32> to vector<224x56xf32>
    %dot_general3A_74 = arith.constant dense<0.000000e+00> : vector<56x56xf32>
    %dot_general3A_75 = tpu.matmul %convert_element_type3A_60, %slice3A_73, %dot_general3A_74 {dimension_numbers = #tpu.dot_dimension_numbers<[1], [0], [0], [1], [0, 0, 1, 1], [], []>, transpose_lhs_hint = false} : vector<56x224xf32>, vector<224x56xf32>, vector<56x56xf32> -> vector<56x56xf32>
    %slice3A_76 = vector.extract_strided_slice %dot_general3A_64 {offsets = [896, 0], sizes = [224, 56], strides = [1, 1]} : vector<5376x56xf32> to vector<224x56xf32>
    %dot_general3A_77 = arith.constant dense<0.000000e+00> : vector<56x56xf32>
    %dot_general3A_78 = tpu.matmul %convert_element_type3A_60, %slice3A_76, %dot_general3A_77 {dimension_numbers = #tpu.dot_dimension_numbers<[1], [0], [0], [1], [0, 0, 1, 1], [], []>, transpose_lhs_hint = false} : vector<56x224xf32>, vector<224x56xf32>, vector<56x56xf32> -> vector<56x56xf32>
    %slice3A_79 = vector.extract_strided_slice %dot_general3A_64 {offsets = [1120, 0], sizes = [224, 56], strides = [1, 1]} : vector<5376x56xf32> to vector<224x56xf32>
    %dot_general3A_80 = arith.constant dense<0.000000e+00> : vector<56x56xf32>
    %dot_general3A_81 = tpu.matmul %convert_element_type3A_60, %slice3A_79, %dot_general3A_80 {dimension_numbers = #tpu.dot_dimension_numbers<[1], [0], [0], [1], [0, 0, 1, 1], [], []>, transpose_lhs_hint = false} : vector<56x224xf32>, vector<224x56xf32>, vector<56x56xf32> -> vector<56x56xf32>
    %slice3A_82 = vector.extract_strided_slice %dot_general3A_64 {offsets = [1344, 0], sizes = [224, 56], strides = [1, 1]} : vector<5376x56xf32> to vector<224x56xf32>
    %dot_general3A_83 = arith.constant dense<0.000000e+00> : vector<56x56xf32>
    %dot_general3A_84 = tpu.matmul %convert_element_type3A_60, %slice3A_82, %dot_general3A_83 {dimension_numbers = #tpu.dot_dimension_numbers<[1], [0], [0], [1], [0, 0, 1, 1], [], []>, transpose_lhs_hint = false} : vector<56x224xf32>, vector<224x56xf32>, vector<56x56xf32> -> vector<56x56xf32>
    %slice3A_85 = vector.extract_strided_slice %dot_general3A_64 {offsets = [1568, 0], sizes = [224, 56], strides = [1, 1]} : vector<5376x56xf32> to vector<224x56xf32>
    %dot_general3A_86 = arith.constant dense<0.000000e+00> : vector<56x56xf32>
    %dot_general3A_87 = tpu.matmul %convert_element_type3A_60, %slice3A_85, %dot_general3A_86 {dimension_numbers = #tpu.dot_dimension_numbers<[1], [0], [0], [1], [0, 0, 1, 1], [], []>, transpose_lhs_hint = false} : vector<56x224xf32>, vector<224x56xf32>, vector<56x56xf32> -> vector<56x56xf32>
    %slice3A_88 = vector.extract_strided_slice %dot_general3A_64 {offsets = [1792, 0], sizes = [224, 56], strides = [1, 1]} : vector<5376x56xf32> to vector<224x56xf32>
    %dot_general3A_89 = arith.constant dense<0.000000e+00> : vector<56x56xf32>
    %dot_general3A_90 = tpu.matmul %convert_element_type3A_60, %slice3A_88, %dot_general3A_89 {dimension_numbers = #tpu.dot_dimension_numbers<[1], [0], [0], [1], [0, 0, 1, 1], [], []>, transpose_lhs_hint = false} : vector<56x224xf32>, vector<224x56xf32>, vector<56x56xf32> -> vector<56x56xf32>
    %slice3A_91 = vector.extract_strided_slice %dot_general3A_64 {offsets = [2016, 0], sizes = [224, 56], strides = [1, 1]} : vector<5376x56xf32> to vector<224x56xf32>
    %dot_general3A_92 = arith.constant dense<0.000000e+00> : vector<56x56xf32>
    %dot_general3A_93 = tpu.matmul %convert_element_type3A_60, %slice3A_91, %dot_general3A_92 {dimension_numbers = #tpu.dot_dimension_numbers<[1], [0], [0], [1], [0, 0, 1, 1], [], []>, transpose_lhs_hint = false} : vector<56x224xf32>, vector<224x56xf32>, vector<56x56xf32> -> vector<56x56xf32>
    %slice3A_94 = vector.extract_strided_slice %dot_general3A_64 {offsets = [2240, 0], sizes = [224, 56], strides = [1, 1]} : vector<5376x56xf32> to vector<224x56xf32>
    %dot_general3A_95 = arith.constant dense<0.000000e+00> : vector<56x56xf32>
    %dot_general3A_96 = tpu.matmul %convert_element_type3A_60, %slice3A_94, %dot_general3A_95 {dimension_numbers = #tpu.dot_dimension_numbers<[1], [0], [0], [1], [0, 0, 1, 1], [], []>, transpose_lhs_hint = false} : vector<56x224xf32>, vector<224x56xf32>, vector<56x56xf32> -> vector<56x56xf32>
    %slice3A_97 = vector.extract_strided_slice %dot_general3A_64 {offsets = [2464, 0], sizes = [224, 56], strides = [1, 1]} : vector<5376x56xf32> to vector<224x56xf32>
    %dot_general3A_98 = arith.constant dense<0.000000e+00> : vector<56x56xf32>
    %dot_general3A_99 = tpu.matmul %convert_element_type3A_60, %slice3A_97, %dot_general3A_98 {dimension_numbers = #tpu.dot_dimension_numbers<[1], [0], [0], [1], [0, 0, 1, 1], [], []>, transpose_lhs_hint = false} : vector<56x224xf32>, vector<224x56xf32>, vector<56x56xf32> -> vector<56x56xf32>
    %slice3A_100 = vector.extract_strided_slice %dot_general3A_64 {offsets = [2688, 0], sizes = [224, 56], strides = [1, 1]} : vector<5376x56xf32> to vector<224x56xf32>
    %dot_general3A_101 = arith.constant dense<0.000000e+00> : vector<56x56xf32>
    %dot_general3A_102 = tpu.matmul %convert_element_type3A_60, %slice3A_100, %dot_general3A_101 {dimension_numbers = #tpu.dot_dimension_numbers<[1], [0], [0], [1], [0, 0, 1, 1], [], []>, transpose_lhs_hint = false} : vector<56x224xf32>, vector<224x56xf32>, vector<56x56xf32> -> vector<56x56xf32>
    %slice3A_103 = vector.extract_strided_slice %dot_general3A_64 {offsets = [2912, 0], sizes = [224, 56], strides = [1, 1]} : vector<5376x56xf32> to vector<224x56xf32>
    %dot_general3A_104 = arith.constant dense<0.000000e+00> : vector<56x56xf32>
    %dot_general3A_105 = tpu.matmul %convert_element_type3A_60, %slice3A_103, %dot_general3A_104 {dimension_numbers = #tpu.dot_dimension_numbers<[1], [0], [0], [1], [0, 0, 1, 1], [], []>, transpose_lhs_hint = false} : vector<56x224xf32>, vector<224x56xf32>, vector<56x56xf32> -> vector<56x56xf32>
    %slice3A_106 = vector.extract_strided_slice %dot_general3A_64 {offsets = [3136, 0], sizes = [224, 56], strides = [1, 1]} : vector<5376x56xf32> to vector<224x56xf32>
    %dot_general3A_107 = arith.constant dense<0.000000e+00> : vector<56x56xf32>
    %dot_general3A_108 = tpu.matmul %convert_element_type3A_60, %slice3A_106, %dot_general3A_107 {dimension_numbers = #tpu.dot_dimension_numbers<[1], [0], [0], [1], [0, 0, 1, 1], [], []>, transpose_lhs_hint = false} : vector<56x224xf32>, vector<224x56xf32>, vector<56x56xf32> -> vector<56x56xf32>
    %slice3A_109 = vector.extract_strided_slice %dot_general3A_64 {offsets = [3360, 0], sizes = [224, 56], strides = [1, 1]} : vector<5376x56xf32> to vector<224x56xf32>
    %dot_general3A_110 = arith.constant dense<0.000000e+00> : vector<56x56xf32>
    %dot_general3A_111 = tpu.matmul %convert_element_type3A_60, %slice3A_109, %dot_general3A_110 {dimension_numbers = #tpu.dot_dimension_numbers<[1], [0], [0], [1], [0, 0, 1, 1], [], []>, transpose_lhs_hint = false} : vector<56x224xf32>, vector<224x56xf32>, vector<56x56xf32> -> vector<56x56xf32>
    %slice3A_112 = vector.extract_strided_slice %dot_general3A_64 {offsets = [3584, 0], sizes = [224, 56], strides = [1, 1]} : vector<5376x56xf32> to vector<224x56xf32>
    %dot_general3A_113 = arith.constant dense<0.000000e+00> : vector<56x56xf32>
    %dot_general3A_114 = tpu.matmul %convert_element_type3A_60, %slice3A_112, %dot_general3A_113 {dimension_numbers = #tpu.dot_dimension_numbers<[1], [0], [0], [1], [0, 0, 1, 1], [], []>, transpose_lhs_hint = false} : vector<56x224xf32>, vector<224x56xf32>, vector<56x56xf32> -> vector<56x56xf32>
    %slice3A_115 = vector.extract_strided_slice %dot_general3A_64 {offsets = [3808, 0], sizes = [224, 56], strides = [1, 1]} : vector<5376x56xf32> to vector<224x56xf32>
    %dot_general3A_116 = arith.constant dense<0.000000e+00> : vector<56x56xf32>
    %dot_general3A_117 = tpu.matmul %convert_element_type3A_60, %slice3A_115, %dot_general3A_116 {dimension_numbers = #tpu.dot_dimension_numbers<[1], [0], [0], [1], [0, 0, 1, 1], [], []>, transpose_lhs_hint = false} : vector<56x224xf32>, vector<224x56xf32>, vector<56x56xf32> -> vector<56x56xf32>
    %slice3A_118 = vector.extract_strided_slice %dot_general3A_64 {offsets = [4032, 0], sizes = [224, 56], strides = [1, 1]} : vector<5376x56xf32> to vector<224x56xf32>
    %dot_general3A_119 = arith.constant dense<0.000000e+00> : vector<56x56xf32>
    %dot_general3A_120 = tpu.matmul %convert_element_type3A_60, %slice3A_118, %dot_general3A_119 {dimension_numbers = #tpu.dot_dimension_numbers<[1], [0], [0], [1], [0, 0, 1, 1], [], []>, transpose_lhs_hint = false} : vector<56x224xf32>, vector<224x56xf32>, vector<56x56xf32> -> vector<56x56xf32>
    %slice3A_121 = vector.extract_strided_slice %dot_general3A_64 {offsets = [4256, 0], sizes = [224, 56], strides = [1, 1]} : vector<5376x56xf32> to vector<224x56xf32>
    %dot_general3A_122 = arith.constant dense<0.000000e+00> : vector<56x56xf32>
    %dot_general3A_123 = tpu.matmul %convert_element_type3A_60, %slice3A_121, %dot_general3A_122 {dimension_numbers = #tpu.dot_dimension_numbers<[1], [0], [0], [1], [0, 0, 1, 1], [], []>, transpose_lhs_hint = false} : vector<56x224xf32>, vector<224x56xf32>, vector<56x56xf32> -> vector<56x56xf32>
    %slice3A_124 = vector.extract_strided_slice %dot_general3A_64 {offsets = [4480, 0], sizes = [224, 56], strides = [1, 1]} : vector<5376x56xf32> to vector<224x56xf32>
    %dot_general3A_125 = arith.constant dense<0.000000e+00> : vector<56x56xf32>
    %dot_general3A_126 = tpu.matmul %convert_element_type3A_60, %slice3A_124, %dot_general3A_125 {dimension_numbers = #tpu.dot_dimension_numbers<[1], [0], [0], [1], [0, 0, 1, 1], [], []>, transpose_lhs_hint = false} : vector<56x224xf32>, vector<224x56xf32>, vector<56x56xf32> -> vector<56x56xf32>
    %slice3A_127 = vector.extract_strided_slice %dot_general3A_64 {offsets = [4704, 0], sizes = [224, 56], strides = [1, 1]} : vector<5376x56xf32> to vector<224x56xf32>
    %dot_general3A_128 = arith.constant dense<0.000000e+00> : vector<56x56xf32>
    %dot_general3A_129 = tpu.matmul %convert_element_type3A_60, %slice3A_127, %dot_general3A_128 {dimension_numbers = #tpu.dot_dimension_numbers<[1], [0], [0], [1], [0, 0, 1, 1], [], []>, transpose_lhs_hint = false} : vector<56x224xf32>, vector<224x56xf32>, vector<56x56xf32> -> vector<56x56xf32>
    %slice3A_130 = vector.extract_strided_slice %dot_general3A_64 {offsets = [4928, 0], sizes = [224, 56], strides = [1, 1]} : vector<5376x56xf32> to vector<224x56xf32>
    %dot_general3A_131 = arith.constant dense<0.000000e+00> : vector<56x56xf32>
    %dot_general3A_132 = tpu.matmul %convert_element_type3A_60, %slice3A_130, %dot_general3A_131 {dimension_numbers = #tpu.dot_dimension_numbers<[1], [0], [0], [1], [0, 0, 1, 1], [], []>, transpose_lhs_hint = false} : vector<56x224xf32>, vector<224x56xf32>, vector<56x56xf32> -> vector<56x56xf32>
    %slice3A_133 = vector.extract_strided_slice %dot_general3A_64 {offsets = [5152, 0], sizes = [224, 56], strides = [1, 1]} : vector<5376x56xf32> to vector<224x56xf32>
    %dot_general3A_134 = arith.constant dense<0.000000e+00> : vector<56x56xf32>
    %dot_general3A_135 = tpu.matmul %convert_element_type3A_60, %slice3A_133, %dot_general3A_134 {dimension_numbers = #tpu.dot_dimension_numbers<[1], [0], [0], [1], [0, 0, 1, 1], [], []>, transpose_lhs_hint = false} : vector<56x224xf32>, vector<224x56xf32>, vector<56x56xf32> -> vector<56x56xf32>
    %concatenate3A = tpu.concatenate %dot_general3A_66, %dot_general3A_69, %dot_general3A_72, %dot_general3A_75, %dot_general3A_78, %dot_general3A_81, %dot_general3A_84, %dot_general3A_87, %dot_general3A_90, %dot_general3A_93, %dot_general3A_96, %dot_general3A_99, %dot_general3A_102, %dot_general3A_105, %dot_general3A_108, %dot_general3A_111, %dot_general3A_114, %dot_general3A_117, %dot_general3A_120, %dot_general3A_123, %dot_general3A_126, %dot_general3A_129, %dot_general3A_132, %dot_general3A_135 in 0 : vector<56x56xf32>, vector<56x56xf32>, vector<56x56xf32>, vector<56x56xf32>, vector<56x56xf32>, vector<56x56xf32>, vector<56x56xf32>, vector<56x56xf32>, vector<56x56xf32>, vector<56x56xf32>, vector<56x56xf32>, vector<56x56xf32>, vector<56x56xf32>, vector<56x56xf32>, vector<56x56xf32>, vector<56x56xf32>, vector<56x56xf32>, vector<56x56xf32>, vector<56x56xf32>, vector<56x56xf32>, vector<56x56xf32>, vector<56x56xf32>, vector<56x56xf32>, vector<56x56xf32> -> vector<1344x56xf32>
    %mul3A = arith.constant 6.250000e-02 : f32
    %mul3A_136 = vector.broadcast %mul3A : f32 to vector<1344x56xf32>
    %mul3A_137 = arith.mulf %concatenate3A, %mul3A_136 : vector<1344x56xf32>
    %swap3A = arith.constant 0 : index
    %swap3A_138 = arith.constant 0 : index
    %swap3A_139 = vector.load %arg2[%swap3A, %swap3A_138] : memref<1344x56xf32, #tpu.memory_space<vmem>>, vector<1344x56xf32>
    tpu.vector_store %arg2[%swap3A, %swap3A_138], %mul3A_137 {strides = array<i32>} : memref<1344x56xf32, #tpu.memory_space<vmem>>, vector<1344x56xf32>,
    return
  }
  func.func @transform_0(%arg0: i32) -> (i32, i32, i32) {
    %c0_i32 = arith.constant 0 : i32
    %c0_i32_0 = arith.constant 0 : i32
    %c0_i32_1 = arith.constant 0 : i32
    return %arg0, %c0_i32, %c0_i32_0 : i32, i32, i32
  }
  func.func @transform_1(%arg0: i32) -> (i32, i32) {
    %c0_i32 = arith.constant 0 : i32
    %c0_i32_0 = arith.constant 0 : i32
    return %arg0, %c0_i32 : i32, i32
  }
}

module attributes {stable_mosaic.version = 14 : i64} {
  func.func @_upsample_body(%arg0: i32, %arg1: memref<1344x56xf32, #tpu.memory_space<vmem>>, %arg2: memref<24x224x224xf32, #tpu.memory_space<vmem>>) attributes {dimension_semantics = [#tpu.dimension_semantics<arbitrary>], iteration_bounds = array<i64: 4>, scalar_prefetch = 0 : i64, scratch_operands = 0 : i64, tpu.core_type = #tpu.core_type<tc>, window_params = [{transform_indices = @transform_0, window_bounds = array<i64: 1344, 56>}, {transform_indices = @transform_1, window_bounds = array<i64: 24, 224, 224>}]} {
    %iota3A = tpu.iota {dimensions = array<i32: 0>} : vector<224x56xi32>
    %iota3A_0 = tpu.iota {dimensions = array<i32: 1>} : vector<224x56xi32>
    %jit3A = arith.constant 4 : i32
    %div3A = vector.broadcast %jit3A : i32 to vector<224x56xi32>
    %div3A_1 = arith.divsi %iota3A, %div3A : vector<224x56xi32>
    %sign3A = arith.constant 0 : i32
    %sign3A_2 = vector.broadcast %sign3A : i32 to vector<224x56xi32>
    %sign3A_3 = arith.cmpi sgt, %iota3A, %sign3A_2 : vector<224x56xi32>
    %sign3A_4 = arith.extui %sign3A_3 : vector<224x56xi1> to vector<224x56xi32>
    %sign3A_5 = arith.constant 0 : i32
    %sign3A_6 = vector.broadcast %sign3A_5 : i32 to vector<224x56xi32>
    %sign3A_7 = arith.cmpi slt, %iota3A, %sign3A_6 : vector<224x56xi32>
    %sign3A_8 = arith.extui %sign3A_7 : vector<224x56xi1> to vector<224x56xi32>
    %sign3A_9 = arith.subi %sign3A_4, %sign3A_8 : vector<224x56xi32>
    %sign3A_10 = arith.constant 0 : i32
    %sign3A_11 = arith.cmpi sgt, %jit3A, %sign3A_10 : i32
    %sign3A_12 = arith.extui %sign3A_11 : i1 to i32
    %sign3A_13 = arith.constant 0 : i32
    %sign3A_14 = arith.cmpi slt, %jit3A, %sign3A_13 : i32
    %sign3A_15 = arith.extui %sign3A_14 : i1 to i32
    %sign3A_16 = arith.subi %sign3A_12, %sign3A_15 : i32
    %ne3A = vector.broadcast %sign3A_16 : i32 to vector<224x56xi32>
    %ne3A_17 = arith.cmpi ne, %sign3A_9, %ne3A : vector<224x56xi32>
    %rem3A = vector.broadcast %jit3A : i32 to vector<224x56xi32>
    %rem3A_18 = arith.remsi %iota3A, %rem3A : vector<224x56xi32>
    %ne3A_19 = arith.constant 0 : i32
    %ne3A_20 = vector.broadcast %ne3A_19 : i32 to vector<224x56xi32>
    %ne3A_21 = arith.cmpi ne, %rem3A_18, %ne3A_20 : vector<224x56xi32>
    %and3A = arith.andi %ne3A_17, %ne3A_21 : vector<224x56xi1>
    %sub3A = arith.constant 1 : i32
    %sub3A_22 = vector.broadcast %sub3A : i32 to vector<224x56xi32>
    %sub3A_23 = arith.subi %div3A_1, %sub3A_22 : vector<224x56xi32>
    %select_n3A = arith.select %and3A, %sub3A_23, %div3A_1 : vector<224x56xi1>, vector<224x56xi32>
    %eq3A = arith.cmpi eq, %select_n3A, %iota3A_0 : vector<224x56xi32>
    %convert_element_type3A = arith.extui %eq3A : vector<224x56xi1> to vector<224x56xi32>
    %convert_element_type3A_24 = arith.sitofp %convert_element_type3A : vector<224x56xi32> to vector<224x56xf32>
    %iota3A_25 = tpu.iota {dimensions = array<i32: 0>} : vector<56x224xi32>
    %iota3A_26 = tpu.iota {dimensions = array<i32: 1>} : vector<56x224xi32>
    %jit3A_27 = arith.constant 4 : i32
    %div3A_28 = vector.broadcast %jit3A_27 : i32 to vector<56x224xi32>
    %div3A_29 = arith.divsi %iota3A_26, %div3A_28 : vector<56x224xi32>
    %sign3A_30 = arith.constant 0 : i32
    %sign3A_31 = vector.broadcast %sign3A_30 : i32 to vector<56x224xi32>
    %sign3A_32 = arith.cmpi sgt, %iota3A_26, %sign3A_31 : vector<56x224xi32>
    %sign3A_33 = arith.extui %sign3A_32 : vector<56x224xi1> to vector<56x224xi32>
    %sign3A_34 = arith.constant 0 : i32
    %sign3A_35 = vector.broadcast %sign3A_34 : i32 to vector<56x224xi32>
    %sign3A_36 = arith.cmpi slt, %iota3A_26, %sign3A_35 : vector<56x224xi32>
    %sign3A_37 = arith.extui %sign3A_36 : vector<56x224xi1> to vector<56x224xi32>
    %sign3A_38 = arith.subi %sign3A_33, %sign3A_37 : vector<56x224xi32>
    %sign3A_39 = arith.constant 0 : i32
    %sign3A_40 = arith.cmpi sgt, %jit3A_27, %sign3A_39 : i32
    %sign3A_41 = arith.extui %sign3A_40 : i1 to i32
    %sign3A_42 = arith.constant 0 : i32
    %sign3A_43 = arith.cmpi slt, %jit3A_27, %sign3A_42 : i32
    %sign3A_44 = arith.extui %sign3A_43 : i1 to i32
    %sign3A_45 = arith.subi %sign3A_41, %sign3A_44 : i32
    %ne3A_46 = vector.broadcast %sign3A_45 : i32 to vector<56x224xi32>
    %ne3A_47 = arith.cmpi ne, %sign3A_38, %ne3A_46 : vector<56x224xi32>
    %rem3A_48 = vector.broadcast %jit3A_27 : i32 to vector<56x224xi32>
    %rem3A_49 = arith.remsi %iota3A_26, %rem3A_48 : vector<56x224xi32>
    %ne3A_50 = arith.constant 0 : i32
    %ne3A_51 = vector.broadcast %ne3A_50 : i32 to vector<56x224xi32>
    %ne3A_52 = arith.cmpi ne, %rem3A_49, %ne3A_51 : vector<56x224xi32>
    %and3A_53 = arith.andi %ne3A_47, %ne3A_52 : vector<56x224xi1>
    %sub3A_54 = arith.constant 1 : i32
    %sub3A_55 = vector.broadcast %sub3A_54 : i32 to vector<56x224xi32>
    %sub3A_56 = arith.subi %div3A_29, %sub3A_55 : vector<56x224xi32>
    %select_n3A_57 = arith.select %and3A_53, %sub3A_56, %div3A_29 : vector<56x224xi1>, vector<56x224xi32>
    %eq3A_58 = arith.cmpi eq, %select_n3A_57, %iota3A_25 : vector<56x224xi32>
    %convert_element_type3A_59 = arith.extui %eq3A_58 : vector<56x224xi1> to vector<56x224xi32>
    %convert_element_type3A_60 = arith.sitofp %convert_element_type3A_59 : vector<56x224xi32> to vector<56x224xf32>
    %get3A = arith.constant 0 : index
    %get3A_61 = arith.constant 0 : index
    %get3A_62 = vector.load %arg1[%get3A, %get3A_61] : memref<1344x56xf32, #tpu.memory_space<vmem>>, vector<1344x56xf32>
    %slice3A = vector.extract_strided_slice %get3A_62 {offsets = [0, 0], sizes = [56, 56], strides = [1, 1]} : vector<1344x56xf32> to vector<56x56xf32>
    %dot_general3A = arith.constant dense<0.000000e+00> : vector<224x56xf32>
    %dot_general3A_63 = tpu.matmul %convert_element_type3A_24, %slice3A, %dot_general3A {dimension_numbers = #tpu.dot_dimension_numbers<[1], [0], [0], [1], [0, 0, 1, 1], [], []>, transpose_lhs_hint = false} : vector<224x56xf32>, vector<56x56xf32>, vector<224x56xf32> -> vector<224x56xf32>
    %slice3A_64 = vector.extract_strided_slice %get3A_62 {offsets = [56, 0], sizes = [56, 56], strides = [1, 1]} : vector<1344x56xf32> to vector<56x56xf32>
    %dot_general3A_65 = arith.constant dense<0.000000e+00> : vector<224x56xf32>
    %dot_general3A_66 = tpu.matmul %convert_element_type3A_24, %slice3A_64, %dot_general3A_65 {dimension_numbers = #tpu.dot_dimension_numbers<[1], [0], [0], [1], [0, 0, 1, 1], [], []>, transpose_lhs_hint = false} : vector<224x56xf32>, vector<56x56xf32>, vector<224x56xf32> -> vector<224x56xf32>
    %slice3A_67 = vector.extract_strided_slice %get3A_62 {offsets = [112, 0], sizes = [56, 56], strides = [1, 1]} : vector<1344x56xf32> to vector<56x56xf32>
    %dot_general3A_68 = arith.constant dense<0.000000e+00> : vector<224x56xf32>
    %dot_general3A_69 = tpu.matmul %convert_element_type3A_24, %slice3A_67, %dot_general3A_68 {dimension_numbers = #tpu.dot_dimension_numbers<[1], [0], [0], [1], [0, 0, 1, 1], [], []>, transpose_lhs_hint = false} : vector<224x56xf32>, vector<56x56xf32>, vector<224x56xf32> -> vector<224x56xf32>
    %slice3A_70 = vector.extract_strided_slice %get3A_62 {offsets = [168, 0], sizes = [56, 56], strides = [1, 1]} : vector<1344x56xf32> to vector<56x56xf32>
    %dot_general3A_71 = arith.constant dense<0.000000e+00> : vector<224x56xf32>
    %dot_general3A_72 = tpu.matmul %convert_element_type3A_24, %slice3A_70, %dot_general3A_71 {dimension_numbers = #tpu.dot_dimension_numbers<[1], [0], [0], [1], [0, 0, 1, 1], [], []>, transpose_lhs_hint = false} : vector<224x56xf32>, vector<56x56xf32>, vector<224x56xf32> -> vector<224x56xf32>
    %slice3A_73 = vector.extract_strided_slice %get3A_62 {offsets = [224, 0], sizes = [56, 56], strides = [1, 1]} : vector<1344x56xf32> to vector<56x56xf32>
    %dot_general3A_74 = arith.constant dense<0.000000e+00> : vector<224x56xf32>
    %dot_general3A_75 = tpu.matmul %convert_element_type3A_24, %slice3A_73, %dot_general3A_74 {dimension_numbers = #tpu.dot_dimension_numbers<[1], [0], [0], [1], [0, 0, 1, 1], [], []>, transpose_lhs_hint = false} : vector<224x56xf32>, vector<56x56xf32>, vector<224x56xf32> -> vector<224x56xf32>
    %slice3A_76 = vector.extract_strided_slice %get3A_62 {offsets = [280, 0], sizes = [56, 56], strides = [1, 1]} : vector<1344x56xf32> to vector<56x56xf32>
    %dot_general3A_77 = arith.constant dense<0.000000e+00> : vector<224x56xf32>
    %dot_general3A_78 = tpu.matmul %convert_element_type3A_24, %slice3A_76, %dot_general3A_77 {dimension_numbers = #tpu.dot_dimension_numbers<[1], [0], [0], [1], [0, 0, 1, 1], [], []>, transpose_lhs_hint = false} : vector<224x56xf32>, vector<56x56xf32>, vector<224x56xf32> -> vector<224x56xf32>
    %slice3A_79 = vector.extract_strided_slice %get3A_62 {offsets = [336, 0], sizes = [56, 56], strides = [1, 1]} : vector<1344x56xf32> to vector<56x56xf32>
    %dot_general3A_80 = arith.constant dense<0.000000e+00> : vector<224x56xf32>
    %dot_general3A_81 = tpu.matmul %convert_element_type3A_24, %slice3A_79, %dot_general3A_80 {dimension_numbers = #tpu.dot_dimension_numbers<[1], [0], [0], [1], [0, 0, 1, 1], [], []>, transpose_lhs_hint = false} : vector<224x56xf32>, vector<56x56xf32>, vector<224x56xf32> -> vector<224x56xf32>
    %slice3A_82 = vector.extract_strided_slice %get3A_62 {offsets = [392, 0], sizes = [56, 56], strides = [1, 1]} : vector<1344x56xf32> to vector<56x56xf32>
    %dot_general3A_83 = arith.constant dense<0.000000e+00> : vector<224x56xf32>
    %dot_general3A_84 = tpu.matmul %convert_element_type3A_24, %slice3A_82, %dot_general3A_83 {dimension_numbers = #tpu.dot_dimension_numbers<[1], [0], [0], [1], [0, 0, 1, 1], [], []>, transpose_lhs_hint = false} : vector<224x56xf32>, vector<56x56xf32>, vector<224x56xf32> -> vector<224x56xf32>
    %slice3A_85 = vector.extract_strided_slice %get3A_62 {offsets = [448, 0], sizes = [56, 56], strides = [1, 1]} : vector<1344x56xf32> to vector<56x56xf32>
    %dot_general3A_86 = arith.constant dense<0.000000e+00> : vector<224x56xf32>
    %dot_general3A_87 = tpu.matmul %convert_element_type3A_24, %slice3A_85, %dot_general3A_86 {dimension_numbers = #tpu.dot_dimension_numbers<[1], [0], [0], [1], [0, 0, 1, 1], [], []>, transpose_lhs_hint = false} : vector<224x56xf32>, vector<56x56xf32>, vector<224x56xf32> -> vector<224x56xf32>
    %slice3A_88 = vector.extract_strided_slice %get3A_62 {offsets = [504, 0], sizes = [56, 56], strides = [1, 1]} : vector<1344x56xf32> to vector<56x56xf32>
    %dot_general3A_89 = arith.constant dense<0.000000e+00> : vector<224x56xf32>
    %dot_general3A_90 = tpu.matmul %convert_element_type3A_24, %slice3A_88, %dot_general3A_89 {dimension_numbers = #tpu.dot_dimension_numbers<[1], [0], [0], [1], [0, 0, 1, 1], [], []>, transpose_lhs_hint = false} : vector<224x56xf32>, vector<56x56xf32>, vector<224x56xf32> -> vector<224x56xf32>
    %slice3A_91 = vector.extract_strided_slice %get3A_62 {offsets = [560, 0], sizes = [56, 56], strides = [1, 1]} : vector<1344x56xf32> to vector<56x56xf32>
    %dot_general3A_92 = arith.constant dense<0.000000e+00> : vector<224x56xf32>
    %dot_general3A_93 = tpu.matmul %convert_element_type3A_24, %slice3A_91, %dot_general3A_92 {dimension_numbers = #tpu.dot_dimension_numbers<[1], [0], [0], [1], [0, 0, 1, 1], [], []>, transpose_lhs_hint = false} : vector<224x56xf32>, vector<56x56xf32>, vector<224x56xf32> -> vector<224x56xf32>
    %slice3A_94 = vector.extract_strided_slice %get3A_62 {offsets = [616, 0], sizes = [56, 56], strides = [1, 1]} : vector<1344x56xf32> to vector<56x56xf32>
    %dot_general3A_95 = arith.constant dense<0.000000e+00> : vector<224x56xf32>
    %dot_general3A_96 = tpu.matmul %convert_element_type3A_24, %slice3A_94, %dot_general3A_95 {dimension_numbers = #tpu.dot_dimension_numbers<[1], [0], [0], [1], [0, 0, 1, 1], [], []>, transpose_lhs_hint = false} : vector<224x56xf32>, vector<56x56xf32>, vector<224x56xf32> -> vector<224x56xf32>
    %slice3A_97 = vector.extract_strided_slice %get3A_62 {offsets = [672, 0], sizes = [56, 56], strides = [1, 1]} : vector<1344x56xf32> to vector<56x56xf32>
    %dot_general3A_98 = arith.constant dense<0.000000e+00> : vector<224x56xf32>
    %dot_general3A_99 = tpu.matmul %convert_element_type3A_24, %slice3A_97, %dot_general3A_98 {dimension_numbers = #tpu.dot_dimension_numbers<[1], [0], [0], [1], [0, 0, 1, 1], [], []>, transpose_lhs_hint = false} : vector<224x56xf32>, vector<56x56xf32>, vector<224x56xf32> -> vector<224x56xf32>
    %slice3A_100 = vector.extract_strided_slice %get3A_62 {offsets = [728, 0], sizes = [56, 56], strides = [1, 1]} : vector<1344x56xf32> to vector<56x56xf32>
    %dot_general3A_101 = arith.constant dense<0.000000e+00> : vector<224x56xf32>
    %dot_general3A_102 = tpu.matmul %convert_element_type3A_24, %slice3A_100, %dot_general3A_101 {dimension_numbers = #tpu.dot_dimension_numbers<[1], [0], [0], [1], [0, 0, 1, 1], [], []>, transpose_lhs_hint = false} : vector<224x56xf32>, vector<56x56xf32>, vector<224x56xf32> -> vector<224x56xf32>
    %slice3A_103 = vector.extract_strided_slice %get3A_62 {offsets = [784, 0], sizes = [56, 56], strides = [1, 1]} : vector<1344x56xf32> to vector<56x56xf32>
    %dot_general3A_104 = arith.constant dense<0.000000e+00> : vector<224x56xf32>
    %dot_general3A_105 = tpu.matmul %convert_element_type3A_24, %slice3A_103, %dot_general3A_104 {dimension_numbers = #tpu.dot_dimension_numbers<[1], [0], [0], [1], [0, 0, 1, 1], [], []>, transpose_lhs_hint = false} : vector<224x56xf32>, vector<56x56xf32>, vector<224x56xf32> -> vector<224x56xf32>
    %slice3A_106 = vector.extract_strided_slice %get3A_62 {offsets = [840, 0], sizes = [56, 56], strides = [1, 1]} : vector<1344x56xf32> to vector<56x56xf32>
    %dot_general3A_107 = arith.constant dense<0.000000e+00> : vector<224x56xf32>
    %dot_general3A_108 = tpu.matmul %convert_element_type3A_24, %slice3A_106, %dot_general3A_107 {dimension_numbers = #tpu.dot_dimension_numbers<[1], [0], [0], [1], [0, 0, 1, 1], [], []>, transpose_lhs_hint = false} : vector<224x56xf32>, vector<56x56xf32>, vector<224x56xf32> -> vector<224x56xf32>
    %slice3A_109 = vector.extract_strided_slice %get3A_62 {offsets = [896, 0], sizes = [56, 56], strides = [1, 1]} : vector<1344x56xf32> to vector<56x56xf32>
    %dot_general3A_110 = arith.constant dense<0.000000e+00> : vector<224x56xf32>
    %dot_general3A_111 = tpu.matmul %convert_element_type3A_24, %slice3A_109, %dot_general3A_110 {dimension_numbers = #tpu.dot_dimension_numbers<[1], [0], [0], [1], [0, 0, 1, 1], [], []>, transpose_lhs_hint = false} : vector<224x56xf32>, vector<56x56xf32>, vector<224x56xf32> -> vector<224x56xf32>
    %slice3A_112 = vector.extract_strided_slice %get3A_62 {offsets = [952, 0], sizes = [56, 56], strides = [1, 1]} : vector<1344x56xf32> to vector<56x56xf32>
    %dot_general3A_113 = arith.constant dense<0.000000e+00> : vector<224x56xf32>
    %dot_general3A_114 = tpu.matmul %convert_element_type3A_24, %slice3A_112, %dot_general3A_113 {dimension_numbers = #tpu.dot_dimension_numbers<[1], [0], [0], [1], [0, 0, 1, 1], [], []>, transpose_lhs_hint = false} : vector<224x56xf32>, vector<56x56xf32>, vector<224x56xf32> -> vector<224x56xf32>
    %slice3A_115 = vector.extract_strided_slice %get3A_62 {offsets = [1008, 0], sizes = [56, 56], strides = [1, 1]} : vector<1344x56xf32> to vector<56x56xf32>
    %dot_general3A_116 = arith.constant dense<0.000000e+00> : vector<224x56xf32>
    %dot_general3A_117 = tpu.matmul %convert_element_type3A_24, %slice3A_115, %dot_general3A_116 {dimension_numbers = #tpu.dot_dimension_numbers<[1], [0], [0], [1], [0, 0, 1, 1], [], []>, transpose_lhs_hint = false} : vector<224x56xf32>, vector<56x56xf32>, vector<224x56xf32> -> vector<224x56xf32>
    %slice3A_118 = vector.extract_strided_slice %get3A_62 {offsets = [1064, 0], sizes = [56, 56], strides = [1, 1]} : vector<1344x56xf32> to vector<56x56xf32>
    %dot_general3A_119 = arith.constant dense<0.000000e+00> : vector<224x56xf32>
    %dot_general3A_120 = tpu.matmul %convert_element_type3A_24, %slice3A_118, %dot_general3A_119 {dimension_numbers = #tpu.dot_dimension_numbers<[1], [0], [0], [1], [0, 0, 1, 1], [], []>, transpose_lhs_hint = false} : vector<224x56xf32>, vector<56x56xf32>, vector<224x56xf32> -> vector<224x56xf32>
    %slice3A_121 = vector.extract_strided_slice %get3A_62 {offsets = [1120, 0], sizes = [56, 56], strides = [1, 1]} : vector<1344x56xf32> to vector<56x56xf32>
    %dot_general3A_122 = arith.constant dense<0.000000e+00> : vector<224x56xf32>
    %dot_general3A_123 = tpu.matmul %convert_element_type3A_24, %slice3A_121, %dot_general3A_122 {dimension_numbers = #tpu.dot_dimension_numbers<[1], [0], [0], [1], [0, 0, 1, 1], [], []>, transpose_lhs_hint = false} : vector<224x56xf32>, vector<56x56xf32>, vector<224x56xf32> -> vector<224x56xf32>
    %slice3A_124 = vector.extract_strided_slice %get3A_62 {offsets = [1176, 0], sizes = [56, 56], strides = [1, 1]} : vector<1344x56xf32> to vector<56x56xf32>
    %dot_general3A_125 = arith.constant dense<0.000000e+00> : vector<224x56xf32>
    %dot_general3A_126 = tpu.matmul %convert_element_type3A_24, %slice3A_124, %dot_general3A_125 {dimension_numbers = #tpu.dot_dimension_numbers<[1], [0], [0], [1], [0, 0, 1, 1], [], []>, transpose_lhs_hint = false} : vector<224x56xf32>, vector<56x56xf32>, vector<224x56xf32> -> vector<224x56xf32>
    %slice3A_127 = vector.extract_strided_slice %get3A_62 {offsets = [1232, 0], sizes = [56, 56], strides = [1, 1]} : vector<1344x56xf32> to vector<56x56xf32>
    %dot_general3A_128 = arith.constant dense<0.000000e+00> : vector<224x56xf32>
    %dot_general3A_129 = tpu.matmul %convert_element_type3A_24, %slice3A_127, %dot_general3A_128 {dimension_numbers = #tpu.dot_dimension_numbers<[1], [0], [0], [1], [0, 0, 1, 1], [], []>, transpose_lhs_hint = false} : vector<224x56xf32>, vector<56x56xf32>, vector<224x56xf32> -> vector<224x56xf32>
    %slice3A_130 = vector.extract_strided_slice %get3A_62 {offsets = [1288, 0], sizes = [56, 56], strides = [1, 1]} : vector<1344x56xf32> to vector<56x56xf32>
    %dot_general3A_131 = arith.constant dense<0.000000e+00> : vector<224x56xf32>
    %dot_general3A_132 = tpu.matmul %convert_element_type3A_24, %slice3A_130, %dot_general3A_131 {dimension_numbers = #tpu.dot_dimension_numbers<[1], [0], [0], [1], [0, 0, 1, 1], [], []>, transpose_lhs_hint = false} : vector<224x56xf32>, vector<56x56xf32>, vector<224x56xf32> -> vector<224x56xf32>
    %concatenate3A = tpu.concatenate %dot_general3A_63, %dot_general3A_66, %dot_general3A_69, %dot_general3A_72, %dot_general3A_75, %dot_general3A_78, %dot_general3A_81, %dot_general3A_84, %dot_general3A_87, %dot_general3A_90, %dot_general3A_93, %dot_general3A_96, %dot_general3A_99, %dot_general3A_102, %dot_general3A_105, %dot_general3A_108, %dot_general3A_111, %dot_general3A_114, %dot_general3A_117, %dot_general3A_120, %dot_general3A_123, %dot_general3A_126, %dot_general3A_129, %dot_general3A_132 in 0 : vector<224x56xf32>, vector<224x56xf32>, vector<224x56xf32>, vector<224x56xf32>, vector<224x56xf32>, vector<224x56xf32>, vector<224x56xf32>, vector<224x56xf32>, vector<224x56xf32>, vector<224x56xf32>, vector<224x56xf32>, vector<224x56xf32>, vector<224x56xf32>, vector<224x56xf32>, vector<224x56xf32>, vector<224x56xf32>, vector<224x56xf32>, vector<224x56xf32>, vector<224x56xf32>, vector<224x56xf32>, vector<224x56xf32>, vector<224x56xf32>, vector<224x56xf32>, vector<224x56xf32> -> vector<5376x56xf32>
    %dot_general3A_133 = arith.constant dense<0.000000e+00> : vector<5376x224xf32>
    %dot_general3A_134 = tpu.matmul %concatenate3A, %convert_element_type3A_60, %dot_general3A_133 {dimension_numbers = #tpu.dot_dimension_numbers<[1], [0], [0], [1], [0, 0, 1, 1], [], []>, transpose_lhs_hint = false} : vector<5376x56xf32>, vector<56x224xf32>, vector<5376x224xf32> -> vector<5376x224xf32>
    %reshape3A = vector.shape_cast %dot_general3A_134 : vector<5376x224xf32> to vector<24x224x224xf32>
    %swap3A = arith.constant 0 : index
    %swap3A_135 = arith.constant 0 : index
    %swap3A_136 = arith.constant 0 : index
    %swap3A_137 = vector.load %arg2[%swap3A, %swap3A_135, %swap3A_136] : memref<24x224x224xf32, #tpu.memory_space<vmem>>, vector<24x224x224xf32>
    tpu.vector_store %arg2[%swap3A, %swap3A_135, %swap3A_136], %reshape3A {strides = array<i32>} : memref<24x224x224xf32, #tpu.memory_space<vmem>>, vector<24x224x224xf32>,
    return
  }
  func.func @transform_0(%arg0: i32) -> (i32, i32) {
    %c0_i32 = arith.constant 0 : i32
    %c0_i32_0 = arith.constant 0 : i32
    return %arg0, %c0_i32 : i32, i32
  }
  func.func @transform_1(%arg0: i32) -> (i32, i32, i32) {
    %c0_i32 = arith.constant 0 : i32
    %c0_i32_0 = arith.constant 0 : i32
    %c0_i32_1 = arith.constant 0 : i32
    return %arg0, %c0_i32, %c0_i32_0 : i32, i32, i32
  }
}

</mosaic_0001>

<sc_bundles>
// kernel: kernel.6.cloned.1.call-start
scs
__scs_entry_jumppad:
0x0: {  	(pc) =	sbr.rel $0x88, $3  }
0x1: {  	(tag) =	ssettag $0x0;
	lr =	simm.s32 $0x1  }
0x2: {  	[smem:$0x3F9F] =	sst lr;
	_ =	strace $0xD0000000  }
0x3: {  	_ = 	snop  }
0x4: {  	_ = 	snop  }
0x5: {  	_ = 	snop  }
0x6: {  	_ = 	snop  }
0x7: {  	_ = 	snop  }
__scs_overlays_trampoline_lowered:
0x8: {  	[smem:$0x3FAE] =	sst s0  }
0x9: {  	[smem:$0x3FAF] =	sst s1  }
0xa: {  	[smem:$0x3FB0] =	sst s2  }
0xb: {  	[smem:$0x3FB1] =	sst s3  }
0xc: {  	[smem:$0x3FB2] =	sst s4  }
0xd: {  	[smem:$0x3FB3] =	sst s5  }
0xe: {  	[smem:$0x3FB4] =	sst s6  }
0xf: {  	[smem:$0x3FB5] =	sst s7  }
0x10: {  	[smem:$0x3FB6] =	sst s8  }
0x11: {  	[smem:$0x3FB7] =	sst s9;
	s0 =	simm.s32 @!p0 $0x0  }
0x12: {  	s1 =	sld [smem:$0x3F9D];
	s0 =	simm.s32 @p0 $0x1  }
0x13: {  	[smem:$0x3FB8] =	sst s0;
	s0 =	simm.s32 @!p1 $0x0  }
0x14: {  	s2 =	sld [smem:$0x3F9C];
	s0 =	simm.s32 @p1 $0x1  }
0x15: {  	[smem:$0x3FB9] =	sst s0;
	s0 =	simm.s32 @!p2 $0x0  }
0x16: {  	s3 =	sld [smem:$0x3FDB];
	s0 =	simm.s32 @p2 $0x1  }
0x17: {  	s4 =	simm.s32 $0x1BF5;
	[smem:$0x3FBB] =	sst s0  }
0x18: {  	s0 =	sld [smem:$0x3F9E];
	_ =	swait.ge [sflag:s4], $0x0  }
0x19: {  	s7 =	sld [smem:$0x3F9F]  }
0x1a: {  	s8 =	sadd.s32 $0xFFFFE003, lr  }
0x1b: {  	s9 =	sadd.s32 $0xFFFFFEF7, lr;
	s5 =	simm.s32 $0xFFFFFFFF;
	p2 =	slt.u32 s8, $0xFFFFF086  }
0x1c: {  	p1 =	slt.u32 s9, $0xF7A;
	s5 =	simm.s32 @!p2 $0x0  }
0x1d: {  	s5 =	simm.s32 @p1 $0x1;
	p0 =	seq.s32 s7, s2  }
0x1e: {  	s7 =	smul.u32 @!p0 $0xF7A, s2;
	p2 =	seq.s32 @!p0 s5, $0x0  }
0x1f: {  	s9 =	smul.u32 $0xF7A, s1;
	s8 =	simm.s32 @!p0 $0x1BF5;
	p2 =	por !p2, p0  }
0x20: {  	[sflag:s8] =	ssyncset.s32 @!p0 $0xFFFFF086;
	s6 =	sadd.s32 @!p0 s3, s7;
	s7 =	simm.s32 @!p0 $0x108  }
0x21: {  	s3 =	sadd.s32 s3, s9;
	s6 =	sadd.s32 @!p0 $0x88, s6;
	s7 =	simm.s32 @p2 $0x1082  }
0x22: {  	[simem:s7], [sflag:s8] =	dma.local @!p0 [hbm:s6], $0xF7A  }
0x23: {  	s9 =	sor.u32 $0xD0000000, s2;
	s6 =	simm.s32 $0x108;
	_ =	swait.ge @!p0 [sflag:s8], $0x0  }
0x24: {  	s3 =	sadd.s32 $0x88, s3;
	s6 =	simm.s32 @!p1 $0x1082;
	[sflag:s4] =	ssyncset.s32 $0xFFFFF086  }
0x25: {  	[simem:s6], [sflag:s4] =	dma.local [hbm:s3], $0xF7A  }
0x26: {  	[smem:$0x3F9F] =	sst s1;
	(tag) =	ssettag s2;
	_ =	strace s9  }
0x27: {  	s1 =	sld [smem:$0x3FAF]  }
0x28: {  	s2 =	sld [smem:$0x3FB0]  }
0x29: {  	s4 =	sld [smem:$0x3FB2]  }
0x2a: {  	p0 =	seq.s32 s5, $0x0;
	s5 =	sld [smem:$0x3FB3]  }
0x2b: {  	s6 =	sld [smem:$0x3FB4]  }
0x2c: {  	s7 =	sld [smem:$0x3FB5]  }
0x2d: {  	s3 =	simm.s32 $0x108;
	s8 =	sld [smem:$0x3FB6]  }
0x2e: {  	s3 =	simm.s32 @!p0 $0x1082;
	s9 =	sld [smem:$0x3FB7]  }
0x2f: {  	lr =	sadd.s32 s0, s3;
	s0 =	sld [smem:$0x3FAE]  }
0x30: {  	s3 =	sld [smem:$0x3FB1]  }
0x31: {  	[smem:$0x3FBA] =	sst s10  }
0x32: {  	s10 =	sld [smem:$0x3FB8];
	_ =	sdelay $0x3  }
0x33: {  	p0 =	seq.s32 s10, $0x1;
	s10 =	sld [smem:$0x3FBA];
	_ =	sdelay $0x3  }
0x34: {  	[smem:$0x3FBA] =	sst s10  }
0x35: {  	s10 =	sld [smem:$0x3FB9];
	_ =	sdelay $0x3  }
0x36: {  	p1 =	seq.s32 s10, $0x1;
	s10 =	sld [smem:$0x3FBA];
	_ =	sdelay $0x3  }
0x37: {  	[smem:$0x3FBA] =	sst s10  }
0x38: {  	s10 =	sld [smem:$0x3FBB]  }
0x39: {  	_ = 	snop;
	(pc) =	sbr.ind lr, $3  }
0x3a: {  	_ = 	snop  }
0x3b: {  	_ = 	snop  }
0x3c: {  	p2 =	seq.s32 s10, $0x1;
	s10 =	sld [smem:$0x3FBA]  }
0x3d: {  	_ =	shalt  }
0x3e: {  	_ =	shalt  }
0x3f: {  	_ =	shalt  }
0x40: {  	_ =	shalt  }
0x41: {  	_ =	shalt  }
0x42: {  	_ =	shalt  }
0x43: {  	_ =	shalt  }
0x44: {  	_ =	shalt  }
0x45: {  	_ =	shalt  }
0x46: {  	_ =	shalt  }
0x47: {  	_ =	shalt  }
0x48: {  	_ =	shalt  }
0x49: {  	_ =	shalt  }
0x4a: {  	_ =	shalt  }
0x4b: {  	_ =	shalt  }
0x4c: {  	_ =	shalt  }
0x4d: {  	_ =	shalt  }
0x4e: {  	_ =	shalt  }
0x4f: {  	_ =	shalt  }
0x50: {  	_ =	shalt  }
0x51: {  	_ =	shalt  }
0x52: {  	_ =	shalt  }
0x53: {  	_ =	shalt  }
0x54: {  	_ =	shalt  }
0x55: {  	_ =	shalt  }
0x56: {  	_ =	shalt  }
0x57: {  	_ =	shalt  }
0x58: {  	_ =	shalt  }
0x59: {  	_ =	shalt  }
0x5a: {  	_ =	shalt  }
0x5b: {  	_ =	shalt  }
0x5c: {  	_ =	shalt  }
0x5d: {  	_ =	shalt  }
0x5e: {  	_ =	shalt  }
0x5f: {  	_ =	shalt  }
0x60: {  	_ =	shalt  }
0x61: {  	_ =	shalt  }
0x62: {  	_ =	shalt  }
0x63: {  	_ =	shalt  }
0x64: {  	_ =	shalt  }
0x65: {  	_ =	shalt  }
0x66: {  	_ =	shalt  }
0x67: {  	_ =	shalt  }
0x68: {  	_ =	shalt  }
0x69: {  	_ =	shalt  }
0x6a: {  	_ =	shalt  }
0x6b: {  	_ =	shalt  }
0x6c: {  	_ =	shalt  }
0x6d: {  	_ =	shalt  }
0x6e: {  	_ =	shalt  }
0x6f: {  	_ =	shalt  }
0x70: {  	_ =	shalt  }
0x71: {  	_ =	shalt  }
0x72: {  	_ =	shalt  }
0x73: {  	_ =	shalt  }
0x74: {  	_ =	shalt  }
0x75: {  	_ =	shalt  }
0x76: {  	_ =	shalt  }
0x77: {  	_ =	shalt  }
0x78: {  	_ =	shalt  }
0x79: {  	_ =	shalt  }
0x7a: {  	_ =	shalt  }
0x7b: {  	_ =	shalt  }
0x7c: {  	_ =	shalt  }
0x7d: {  	_ =	shalt  }
0x7e: {  	_ =	shalt  }
0x7f: {  	_ =	shalt  }
0x80: {  	_ =	shalt  }
0x81: {  	_ =	shalt  }
0x82: {  	_ =	shalt  }
0x83: {  	_ =	shalt  }
0x84: {  	_ =	shalt  }
0x85: {  	_ =	shalt  }
0x86: {  	_ =	shalt  }
0x87: {  	_ =	shalt  }
.Lfunc_end0:
.L_simem_size_0:
called_computation_lowered:
.L_overlay_start_0:
0x88: {  	s2 =	sld [smem:$0x3FD9]  }
0x89: {  	s3 =	sld [smem:$0x3FFE];
	_ =	sdelay $0x1  }
0x8a: {  	s1 =	srdreg.scid  }
0x8b: {  	s0 =	sand.u32 $0x1, s1  }
0x8c: {  	s17 =	sshll.u32 s0, $0xA;
	s2 =	sadd.s32 s3, s2  }
0x8d: {  	s2 =	sadd.s32 s2, s17  }
0x8e: {  	[smem:$0x3FC6] =	sst s2  }
0x8f: {  	_ = 	snop  }
0x90: {  	s2 =	sld [smem:$0x3FD0];
	(tm) =	ssettm $0x1  }
0x91: {  	s18 =	sld [smem:$0x3FFB];
	_ =	sdelay $0x3  }
0x92: {  	_ =	strace s18  }
0x93: {  	s3 =	sld [smem:$0x3FFC];
	_ =	sdelay $0x3  }
0x94: {  	_ =	strace s3  }
0x95: {  	s3 =	sld [smem:$0x3FFD];
	_ =	sdelay $0x3  }
0x96: {  	_ =	strace s3  }
0x97: {  	_ =	strace $0x8FFFFFFF  }
0x98: {  	s19 =	sld [smem:$0x3FDB];
	_ =	sdelay $0x1  }
0x99: {  	s4 =	simm.s32 $_scs_section_size  }
0x9a: {  	s5 =	simm.s32 $_size__tile_overlayer_lowered;
	s6 =	simm.s32 $_tile_overlayer_lowered  }
0x9b: {  	s22 =	simm.s32 $0x1BFF;
	s21 =	sshll.u32 s6, $0x1;
	s3 =	sadd.s32 s4, s19  }
0x9c: {  	s7 =	simm.s32 $0x0;
	s20 =	sshll.u32 s5, $0x1;
	s5 =	sadd.s32 s21, s3  }
0x9d: {  	[timem:s7], [sflag:s22] =	dma.local [hbm:s5], s20  }
0x9e: {  	_ =	swait.ge [sflag:s22], s20  }
0x9f: {  	s4 =	ssub.s32 $0x0, s20;
	[sflag:s22] =	ssyncset.done $0x0  }
0xa0: {  	[sflag:s22] =	ssyncadd.s32 s4;
	_ =	sdelay $0x1  }
0xa1: {  	s23 =	simm.s32 $0x1B8B  }
0xa2: {  	_ =	swait.ge [sflag:s23], $0x1  }
0xa3: {  	[sflag:s23] =	ssyncset.done $0x0  }
0xa4: {  	s25 =	simm.s32 $0x1B8E;
	s24 =	sld [smem:$0x3FFE];
	[sflag:s23] =	ssyncadd.s32 $0xFFFFFFFF  }
0xa5: {  	s26 =	simm.s32 $execute0_lowered;
	[smem:$0x3FD2] =	sst s25  }
0xa6: {  	s5 =	sshll.u32 s26, $0x1;
	_ =	strace $0x80000046;
	[dreg:$0x1] =	wrdreg $0xFFFFFFFF  }
0xa7: {  	s28 =	simm.s32 $_size_execute0_lowered;
	s3 =	sadd.s32 s3, s5;
	[dreg:$0x0] =	wrdreg $0x0  }
0xa8: {  	s5 =	sshll.u32 s28, $0x1;
	[dreg:$0x2] =	wrdreg s3  }
0xa9: {  	[dreg:$0x3] =	wrdreg s5  }
0xaa: {  	[dreg:$0x4] =	wrdreg $0xC0  }
0xab: {  	_ =	task [dreg:s7], $0x5FFFF  }
0xac: {  	[dreg:$0x1] =	wrdreg $0xFFFFFFFF  }
0xad: {  	[dreg:$0x0] =	wrdreg $0x60  }
0xae: {  	[dreg:$0x2] =	wrdreg s2  }
0xaf: {  	[dreg:$0x3] =	wrdreg s24  }
0xb0: {  	[dreg:$0x4] =	wrdreg $0x9  }
0xb1: {  	_ =	task.clear_ibuf [dreg:s7], $0x5FFFF;
	_ =	strace $0x90000046  }
0xb2: {  	s29 =	simm.s32 $0x9;
	_ =	strace $0x80000048  }
0xb3: {  	_ =	swait.ge [sflag:s29], $0x1  }
0xb4: {  	[sflag:s29] =	ssyncadd.s32 $0xFFFFFFFF  }
0xb5: {  	_ =	strace $0x90000048  }
0xb6: {  	_ =	sfence  }
0xb7: {  	s30 =	sld [smem:$0x0];
	_ =	sdelay $0x2  }
0xb8: {  	s31 =	sshll.u32 s1, $0xD;
	s1 =	sshrl.u32 s1, $0x2  }
0xb9: {  	s3 =	sand.u32 $0x4000, s31;
	s1 =	sadd.s32 s1, s30  }
0xba: {  	s0 =	sor.u32 s3, s0;
	s1 =	sshll.u32 s1, $0x11  }
0xbb: {  	s0 =	sor.u32 s1, s0  }
0xbc: {  	s0 =	sadd.s32 $0x8F2B, s0  }
0xbd: {  	[sflag:s0] =	ssyncadd.remote.s32 $0x1  }
0xbe: {  	_ =	sfence.sel $0xFFFF  }
0xbf: {  	[dreg:$0x0] =	wrdreg $0xFFFFFFFF;
	(pc) =	sbr.abs _section_cstart, $3  }
0xc0: {  	[dreg:$0x1] =	wrdreg $0xFFFFFFFF  }
0xc1: {  	_ =	task.clear_ibuf [dreg:s7], $0x2FFFF;
	_ =	strace $0x9FFFFFFF  }
0xc2: {  	(tm) =	ssettm $0x7FFFFFFF  }
0xc3: {  	_ =	shalt  }
tec
execute0_lowered:
.L_overlay_start_1:
0x0: {  	(tag) =	ssettag $0x1  }
0x1: {  	s4 =	rddreg [dreg:$0x0];
	s1 =	srdreg.scid  }
0x2: {  	s0 =	stileid.u32;
	s2 =	rddreg [dreg:$0x1];
	s3 =	simm.s32 $0x0  }
0x3: {  	s9 =	simm.s32 $0x3100;
	s5 =	sand.u32 $0x1, s1;
	s6 =	sshll.u32 s0, $0x1  }
0x4: {  	s10 =	simm.s32 $0x0;
	s6 =	sor.u32 s5, s6;
	s5 =	ssub.s32 $0x2, s5  }
0x5: {  	[smem:$0x7FF] =	sst s3;
	s6 =	smul.u32 $0x498, s6;
	s7 =	sshrl.u32 s5, $0x1  }
0x6: {  	s1 =	rddreg [dreg:$0x2];
	_ =	strace $0x80000047;
	s7 =	ssub.s32 s5, s7  }
0x7: {  	s8 =	sadd.s32 s6, s2;
	s4 =	sadd.s32 s4, s6;
	s6 =	smax.u32 s7, $0x1  }
0x8: {  	s7 =	simm.s32 $0x1;
	s5 =	sadd.s32 $0x200, s8;
	s8 =	simm.s32 $0x24C0  }
.LBB2_1:
0x9: {  	[tilespmem:s3], [sflag:$0x1] =	stream.linear.gather [hbm4b:s4+s3], $0x24C0, $0x38;
	[tilespmem:$0x55C0] =	vst v63  }
0xa: {  	_ =	swait.ge [sflag:s7], $0x24C0  }
0xb: {  	[sflag:s7] =	ssyncset.done $0x0  }
0xc: {  	[sflag:s7] =	ssyncadd.s32 $0xFFFFDB40  }
0xd: {  	[tilespmem:s8], [sflag:$0x1] =	stream.linear.gather [hbm4b:s2+s3], $0xC40, $0x38;
	[tilespmem:$0x55C0] =	vst v63  }
0xe: {  	_ =	swait.ge [sflag:s7], $0xC40  }
0xf: {  	s11 =	simm.s32 $0xFFFFFFFC;
	[sflag:s7] =	ssyncset.done $0x0  }
0x10: {  	s12 =	simm.s32 $0x3D60;
	s13 =	simm.s32 $0x24E0;
	[sflag:s7] =	ssyncadd.s32 $0xFFFFF3C0  }
.LBB2_2:
0x11: {  	v0 =	vld [tilespmem:s13+$0xFFFFFFE0];
	_ =	sdelay $0x7  }
0x12: {  	v1 =	vld.idx.msk [tilespmem:v0+s3+$0x0], $0xffff  }
0x13: {  	v2 =	vadd.s32 $0xC40, v0;
	_ =	sdelay $0x3  }
0x14: {  	[tilespmem:s12+$0xFFFFF3A0] =	vst v1  }
0x15: {  	v1 =	vld.idx.msk [tilespmem:v2+s3+$0x0], $0xffff  }
0x16: {  	v0 =	vadd.s32 $0x1880, v0;
	_ =	sdelay $0x3  }
0x17: {  	[tilespmem:s12+$0xFFFFFFE0] =	vst v1  }
0x18: {  	v0 =	vld.idx.msk [tilespmem:v0+s3+$0x0], $0xffff;
	_ =	sdelay $0x4  }
0x19: {  	[tilespmem:s12+$0xC20] =	vst v0  }
0x1a: {  	v0 =	vld [tilespmem:s13+$0xFFFFFFF0];
	_ =	sdelay $0x7  }
0x1b: {  	v1 =	vld.idx.msk [tilespmem:v0+s3+$0x0], $0xffff  }
0x1c: {  	v61 =	vadd.s32 $0xC40, v0;
	_ =	sdelay $0x3  }
0x1d: {  	[tilespmem:s12+$0xFFFFF3B0] =	vst v1  }
0x1e: {  	v1 =	vld.idx.msk [tilespmem:v61+s3+$0x0], $0xffff  }
0x1f: {  	v0 =	vadd.s32 $0x1880, v0;
	_ =	sdelay $0x3  }
0x20: {  	[tilespmem:s12+$0xFFFFFFF0] =	vst v1  }
0x21: {  	v0 =	vld.idx.msk [tilespmem:v0+s3+$0x0], $0xffff;
	_ =	sdelay $0x4  }
0x22: {  	[tilespmem:s12+$0xC30] =	vst v0  }
0x23: {  	v0 =	vld [tilespmem:s13+$0x0];
	_ =	sdelay $0x7  }
0x24: {  	v1 =	vld.idx.msk [tilespmem:v0+s3+$0x0], $0xffff  }
0x25: {  	v62 =	vadd.s32 $0xC40, v0;
	_ =	sdelay $0x3  }
0x26: {  	[tilespmem:s12+$0xFFFFF3C0] =	vst v1  }
0x27: {  	v1 =	vld.idx.msk [tilespmem:v62+s3+$0x0], $0xffff  }
0x28: {  	v0 =	vadd.s32 $0x1880, v0;
	_ =	sdelay $0x3  }
0x29: {  	[tilespmem:s12+$0x0] =	vst v1  }
0x2a: {  	v0 =	vld.idx.msk [tilespmem:v0+s3+$0x0], $0xffff;
	_ =	sdelay $0x4  }
0x2b: {  	[tilespmem:s12+$0xC40] =	vst v0  }
0x2c: {  	v0 =	vld [tilespmem:s13+$0x10];
	_ =	sdelay $0x7  }
0x2d: {  	v1 =	vld.idx.msk [tilespmem:v0+s3+$0x0], $0xffff  }
0x2e: {  	v63 =	vadd.s32 $0xC40, v0;
	_ =	sdelay $0x3  }
0x2f: {  	[tilespmem:s12+$0xFFFFF3D0] =	vst v1  }
0x30: {  	v1 =	vld.idx.msk [tilespmem:v63+s3+$0x0], $0xffff  }
0x31: {  	v0 =	vadd.s32 $0x1880, v0;
	_ =	sdelay $0x3  }
0x32: {  	s11 =	sadd.s32 $0x4, s11;
	[tilespmem:s12+$0x10] =	vst v1  }
0x33: {  	p0 =	slt.u32 s11, $0xC0;
	v0 =	vld.idx.msk [tilespmem:v0+s3+$0x0], $0xffff  }
.Ltmp0:
0x34: {  	_ = 	snop;
	(pc) =	sbr.rel @p0 .LBB2_2-.Ltmp0, $2  }
0x35: {  	_ =	sdelay $0x2  }
0x36: {  	s13 =	sadd.s32 $0x40, s13;
	[tilespmem:s12+$0xC50] =	vst v0;
	s12 =	sadd.s32 $0x40, s12  }
0x37: {  	s10 =	sadd.s32 $0x1, s10  }
0x38: {  	p0 =	sne.s32 s10, s6  }
.Ltmp1:
0x39: {  	_ = 	snop;
	(pc) =	sbr.rel @p0 .LBB2_1-.Ltmp1, $4  }
0x3a: {  	[hbm4b:s5+s3] =	stream.linear.scatter [tilespmem:s9], [sflag:$0x1], $0x24C0, $0x38;
	[tilespmem:$0x55C0] =	vst v63  }
0x3b: {  	_ =	swait.ge [sflag:s7], $0x24C0  }
0x3c: {  	[sflag:s7] =	ssyncset.done $0x0  }
0x3d: {  	[sflag:s7] =	ssyncadd.s32 $0xFFFFDB40  }
0x3e: {  	_ =	sfence.sel $0x180000  }
0x3f: {  	[bflag:$0x0] =	sbarrier.arrive $0xFFFF  }
0x40: {  	p0 =	sne.s32 s0, $0x0;
	_ =	strace $0x90000047  }
0x41: {  	s0 =	sadd.s32 @!p0 $0x100000, s1;
	[bflag:$0x2] =	sbarrier.arrive $0xFFFF  }
0x42: {  	[sflag:s0] =	ssyncadd.tile.s32 @!p0 $0x1;
	_ =	shalt  }
.Lfunc_end2:
_tile_overlayer_lowered:
.L_overlay_start_2:
0x43: {  	(tag) =	ssettag $0x2  }
0x44: {  	s0 =	rddreg [dreg:$0x0];
	s2 =	stileid.u32  }
0x45: {  	s1 =	rddreg [dreg:$0x1];
	p0 =	sne.s32 s2, $0x0  }
0x46: {  	s3 =	rddreg [dreg:$0x2];
	[bflag:$0x3] =	sbarrier.arrive $0xFFFF;
	s2 =	simm.s32 @!p0 $0x1C01  }
0x47: {  	[timem:s3], [sflag:s2] =	dma.local @!p0 [hbm:s0], s1  }
0x48: {  	s0 =	simm.s32 @!p0 $0x1  }
0x49: {  	_ =	swait.ge @!p0 [sflag:s0], s1  }
0x4a: {  	s1 =	ssub.s32 @!p0 $0x0, s1;
	[sflag:s0] =	ssyncset.done @!p0 $0x0  }
0x4b: {  	[sflag:s0] =	ssyncadd.s32 @!p0 s1  }
0x4c: {  	[bflag:$0x3] =	sbarrier.arrive $0xFFFF  }
0x4d: {  	_ =	shalt  }

</sc_bundles>
